<compile_context>
chip_gen: v7x
topology: tpu7x:2x2x1
jax: 0.10.2.dev20260603
libtpu: 0.0.44.dev20260713+nightly
codegen_flags: <defaults>
</compile_context>

<pallas_src>
import functools

import jax
import jax.numpy as jnp
from jax import lax
from jax.experimental import pallas as pl
from jax.experimental.pallas import tpu as pltpu
from jax.experimental.pallas import tpu_sc as plsc

_N = 100000
_D = 128
_L = 16
_G = _D // _L
_NC, _NS = 2, 16
_NW = _NC * _NS

_N_SC = 36000
_N_TC = _N - _N_SC
_RW = _N_SC // _NW
_CH = 225
_NCHUNK = _RW // _CH

_TC_BLOCK = 4000

_mesh = plsc.VectorSubcoreMesh(core_axis_name="c", subcore_axis_name="s")


@functools.partial(
    pl.kernel,
    mesh=_mesh,
    out_type=jax.ShapeDtypeStruct((_NC * _D,), jnp.float32),
    scratch_types=[
        pltpu.VMEM((_CH * _D,), jnp.float32),
        pltpu.VMEM((_CH * _D,), jnp.float32),
        pltpu.VMEM((_D,), jnp.float32),
        pltpu.VMEM((_NS * _D,), jnp.float32),
        pltpu.VMEM_SHARED((_NS * _D,), jnp.float32),
        pltpu.SemaphoreType.DMA,
        pltpu.SemaphoreType.DMA,
    ],
)
def _sc_sum(x_hbm, out_hbm, buf0, buf1, part, gath, shared, sem0, sem1):
    c = lax.axis_index("c")
    s = lax.axis_index("s")
    wid = s * _NC + c
    base = (_N_TC + wid * _RW) * _D
    bufs, sems = (buf0, buf1), (sem0, sem1)

    def accum_rows(buf, nrows, acc):
        def row_body(r, carry):
            return tuple(carry[j] + buf[pl.ds(r * _D + j * _L, _L)]
                         for j in range(_G))
        return plsc.parallel_loop(0, nrows, 1, unroll=8, carry=acc)(row_body)

    copies = [None] * _NCHUNK
    copies[0] = pltpu.async_copy(x_hbm.at[pl.ds(base, _CH * _D)], buf0, sem0)
    acc = tuple(jnp.zeros((_L,), jnp.float32) for _ in range(_G))
    for k in range(_NCHUNK):
        if k + 1 < _NCHUNK:
            copies[k + 1] = pltpu.async_copy(
                x_hbm.at[pl.ds(base + (k + 1) * (_CH * _D), _CH * _D)],
                bufs[(k + 1) % 2], sems[(k + 1) % 2])
        copies[k].wait()
        acc = accum_rows(bufs[k % 2], _CH, acc)

    for j in range(_G):
        part[pl.ds(j * _L, _L)] = acc[j]
    pltpu.sync_copy(part, shared.at[pl.ds(s * _D, _D)])
    plsc.subcore_barrier()

    @pl.when(s == 0)
    def _combine():
        pltpu.sync_copy(shared, gath)
        tot = accum_rows(
            gath, _NS,
            tuple(jnp.zeros((_L,), jnp.float32) for _ in range(_G)))
        for j in range(_G):
            part[pl.ds(j * _L, _L)] = tot[j]
        pltpu.sync_copy(part, out_hbm.at[pl.ds(c * _D, _D)])


def _tc_body(x_ref, o_ref, acc_ref):
    i = pl.program_id(0)

    @pl.when(i == 0)
    def _init():
        acc_ref[...] = jnp.zeros_like(acc_ref)

    ones = jnp.ones((1, _TC_BLOCK), jnp.float32)
    acc_ref[...] += jnp.dot(ones, x_ref[...],
                            preferred_element_type=jnp.float32)

    @pl.when(i == pl.num_programs(0) - 1)
    def _finish():
        o_ref[...] = acc_ref[...]


def _tc_sum(x):
    grid = _N_TC // _TC_BLOCK
    return pl.pallas_call(
        _tc_body,
        grid=(grid,),
        in_specs=[pl.BlockSpec((_TC_BLOCK, _D), lambda i: (i, 0))],
        out_specs=pl.BlockSpec((1, _D), lambda i: (0, 0)),
        out_shape=jax.ShapeDtypeStruct((1, _D), jnp.float32),
        scratch_shapes=[pltpu.VMEM((1, _D), jnp.float32)],
    )(x)


def kernel(x):
    sc_partials = _sc_sum(x.reshape(-1))
    tc_partial = _tc_sum(x)
    return tc_partial + jnp.sum(sc_partials.reshape(_NC, _D),
                                axis=0, keepdims=True)

# --- scband reference (transcript-rebuilt; emitter-appended) ---
"""Pipeline reference for scband-graph-aggr-32469952758444 (READ-ONLY COPY).

The authoritative reference and input builder live on the scoring server;
editing this copy changes nothing except your own understanding.
"""

import jax, jax.numpy as jnp
import numpy as np

def setup_inputs(seed: int = 0) -> dict:
    key = jax.random.key(seed)
    x = jax.random.normal(key, (100000, 128), dtype=jnp.float32)
    return {"x": x}

def reference(x):
    # GraphAggr with global_aggregation='sum' -> global_add_pool(x, batch=None)
    # torch_geometric global_add_pool with batch=None sums over the node dim,
    # keeping the graph dim: output shape [1, d_feat].
    return jnp.sum(x, axis=0, keepdims=True)

if __name__ == "__main__":
    import jax
    _d = setup_inputs()
    print(jax.jit(kernel)(*tuple(_d.values())))

</pallas_src>

<mosaic_0001>
#map = affine_map<(d0, d1) -> (0)>
module attributes {stable_mosaic.version = 14 : i64} {
  func.func @_sc_sum(%arg0: i32, %arg1: i32, %arg2: memref<12800000xf32, #tpu.memory_space<hbm>>, %arg3: memref<256xf32, #tpu.memory_space<hbm>>, %arg4: memref<28800xf32, #tpu.memory_space<vmem>>, %arg5: memref<28800xf32, #tpu.memory_space<vmem>>, %arg6: memref<128xf32, #tpu.memory_space<vmem>>, %arg7: memref<2048xf32, #tpu.memory_space<vmem>>, %arg8: memref<2048xf32, #tpu.memory_space<vmem_shared>>, %arg9: memref<!tpu.dma_semaphore, #tpu.memory_space<semaphore_mem>>, %arg10: memref<!tpu.dma_semaphore, #tpu.memory_space<semaphore_mem>>) attributes {dimension_semantics = [#tpu.dimension_semantics<core_parallel>, #tpu.dimension_semantics<subcore_parallel>], iteration_bounds = array<i64: 2, 16>, scalar_prefetch = 0 : i64, scratch_operands = 7 : i64, tpu.core_type = #tpu.core_type<sc_vector_subcore>, window_params = [{transform_indices = #map}, {transform_indices = #map}]} {
    %mul3A = arith.constant 2 : i32
    %mul3A_0 = arith.muli %arg1, %mul3A : i32
    %add3A = arith.addi %mul3A_0, %arg0 : i32
    %mul3A_1 = arith.constant 1125 : i32
    %mul3A_2 = arith.muli %add3A, %mul3A_1 : i32
    %add3A_3 = arith.constant 64000 : i32
    %add3A_4 = arith.addi %add3A_3, %mul3A_2 : i32
    %mul3A_5 = arith.constant 128 : i32
    %mul3A_6 = arith.muli %add3A_4, %mul3A_5 : i32
    %dma_start3A = tpu.memref_slice %arg2[%mul3A_6] : memref<12800000xf32, #tpu.memory_space<hbm>> -> memref<28800xf32, #tpu.memory_space<hbm>>
    %dma_start3A_7 = tpu.memref_slice %arg2[%mul3A_6] : memref<12800000xf32, #tpu.memory_space<hbm>> -> memref<28800xf32, #tpu.memory_space<hbm>>
    tpu.enqueue_dma source(%dma_start3A_7 : memref<28800xf32, #tpu.memory_space<hbm>>) target(%arg4 : memref<28800xf32, #tpu.memory_space<vmem>>) target_semaphore(%arg9 : memref<!tpu.dma_semaphore, #tpu.memory_space<semaphore_mem>>)
    %broadcast_in_dim3A = arith.constant 0.000000e+00 : f32
    %broadcast_in_dim3A_8 = vector.broadcast %broadcast_in_dim3A : f32 to vector<16xf32>
    %broadcast_in_dim3A_9 = arith.constant 0.000000e+00 : f32
    %broadcast_in_dim3A_10 = vector.broadcast %broadcast_in_dim3A_9 : f32 to vector<16xf32>
    %broadcast_in_dim3A_11 = arith.constant 0.000000e+00 : f32
    %broadcast_in_dim3A_12 = vector.broadcast %broadcast_in_dim3A_11 : f32 to vector<16xf32>
    %broadcast_in_dim3A_13 = arith.constant 0.000000e+00 : f32
    %broadcast_in_dim3A_14 = vector.broadcast %broadcast_in_dim3A_13 : f32 to vector<16xf32>
    %broadcast_in_dim3A_15 = arith.constant 0.000000e+00 : f32
    %broadcast_in_dim3A_16 = vector.broadcast %broadcast_in_dim3A_15 : f32 to vector<16xf32>
    %broadcast_in_dim3A_17 = arith.constant 0.000000e+00 : f32
    %broadcast_in_dim3A_18 = vector.broadcast %broadcast_in_dim3A_17 : f32 to vector<16xf32>
    %broadcast_in_dim3A_19 = arith.constant 0.000000e+00 : f32
    %broadcast_in_dim3A_20 = vector.broadcast %broadcast_in_dim3A_19 : f32 to vector<16xf32>
    %broadcast_in_dim3A_21 = arith.constant 0.000000e+00 : f32
    %broadcast_in_dim3A_22 = vector.broadcast %broadcast_in_dim3A_21 : f32 to vector<16xf32>
    %add3A_23 = arith.constant 28800 : i32
    %add3A_24 = arith.addi %mul3A_6, %add3A_23 : i32
    %dma_start3A_25 = tpu.memref_slice %arg2[%add3A_24] : memref<12800000xf32, #tpu.memory_space<hbm>> -> memref<28800xf32, #tpu.memory_space<hbm>>
    %dma_start3A_26 = tpu.memref_slice %arg2[%add3A_24] : memref<12800000xf32, #tpu.memory_space<hbm>> -> memref<28800xf32, #tpu.memory_space<hbm>>
    tpu.enqueue_dma source(%dma_start3A_26 : memref<28800xf32, #tpu.memory_space<hbm>>) target(%arg5 : memref<28800xf32, #tpu.memory_space<vmem>>) target_semaphore(%arg10 : memref<!tpu.dma_semaphore, #tpu.memory_space<semaphore_mem>>)
    %dma_wait3A = tpu.memref_slice %arg2[%mul3A_6] : memref<12800000xf32, #tpu.memory_space<hbm>> -> memref<28800xf32, #tpu.memory_space<hbm>>
    %dma_wait3A_27 = tpu.memref_slice %arg2[%mul3A_6] : memref<12800000xf32, #tpu.memory_space<hbm>> -> memref<28800xf32, #tpu.memory_space<hbm>>
    tpu.wait_dma2 semaphore(%arg9 : memref<!tpu.dma_semaphore, #tpu.memory_space<semaphore_mem>>) src(%dma_wait3A_27 : memref<28800xf32, #tpu.memory_space<hbm>>) dst(%arg4 : memref<28800xf32, #tpu.memory_space<vmem>>)
    %parallel_loop3A = arith.constant 0 : i32
    %parallel_loop3A_28 = arith.constant 225 : i32
    %parallel_loop3A_29 = arith.constant 1 : i32
    %parallel_loop3A_30:8 = scf.for %parallel_loop3A_102 = %parallel_loop3A to %parallel_loop3A_28 step %parallel_loop3A_29 iter_args(%parallel_loop3A_103 = %broadcast_in_dim3A_8, %parallel_loop3A_104 = %broadcast_in_dim3A_10, %parallel_loop3A_105 = %broadcast_in_dim3A_12, %parallel_loop3A_106 = %broadcast_in_dim3A_14, %parallel_loop3A_107 = %broadcast_in_dim3A_16, %parallel_loop3A_108 = %broadcast_in_dim3A_18, %parallel_loop3A_109 = %broadcast_in_dim3A_20, %parallel_loop3A_110 = %broadcast_in_dim3A_22) -> (vector<16xf32>, vector<16xf32>, vector<16xf32>, vector<16xf32>, vector<16xf32>, vector<16xf32>, vector<16xf32>, vector<16xf32>)  : i32 {
      %parallel_loop3A_111 = arith.constant 128 : i32
      %parallel_loop3A_112 = arith.muli %parallel_loop3A_102, %parallel_loop3A_111 : i32
      %parallel_loop3A_113 = arith.constant 0 : i32
      %parallel_loop3A_114 = arith.addi %parallel_loop3A_112, %parallel_loop3A_113 : i32
      %parallel_loop3A_115 = arith.index_cast %parallel_loop3A_114 : i32 to index
      %parallel_loop3A_116 = tpu.vector_load %arg4[%parallel_loop3A_115] {strides = array<i32>} : memref<28800xf32, #tpu.memory_space<vmem>>, vector<16xf32>,
      %parallel_loop3A_117 = vector.shape_cast %parallel_loop3A_116 : vector<16xf32> to vector<16xf32>
      %parallel_loop3A_118 = arith.addf %parallel_loop3A_103, %parallel_loop3A_117 : vector<16xf32>
      %parallel_loop3A_119 = arith.constant 128 : i32
      %parallel_loop3A_120 = arith.muli %parallel_loop3A_102, %parallel_loop3A_119 : i32
      %parallel_loop3A_121 = arith.constant 16 : i32
      %parallel_loop3A_122 = arith.addi %parallel_loop3A_120, %parallel_loop3A_121 : i32
      %parallel_loop3A_123 = arith.index_cast %parallel_loop3A_122 : i32 to index
      %parallel_loop3A_124 = tpu.vector_load %arg4[%parallel_loop3A_123] {strides = array<i32>} : memref<28800xf32, #tpu.memory_space<vmem>>, vector<16xf32>,
      %parallel_loop3A_125 = vector.shape_cast %parallel_loop3A_124 : vector<16xf32> to vector<16xf32>
      %parallel_loop3A_126 = arith.addf %parallel_loop3A_104, %parallel_loop3A_125 : vector<16xf32>
      %parallel_loop3A_127 = arith.constant 128 : i32
      %parallel_loop3A_128 = arith.muli %parallel_loop3A_102, %parallel_loop3A_127 : i32
      %parallel_loop3A_129 = arith.constant 32 : i32
      %parallel_loop3A_130 = arith.addi %parallel_loop3A_128, %parallel_loop3A_129 : i32
      %parallel_loop3A_131 = arith.index_cast %parallel_loop3A_130 : i32 to index
      %parallel_loop3A_132 = tpu.vector_load %arg4[%parallel_loop3A_131] {strides = array<i32>} : memref<28800xf32, #tpu.memory_space<vmem>>, vector<16xf32>,
      %parallel_loop3A_133 = vector.shape_cast %parallel_loop3A_132 : vector<16xf32> to vector<16xf32>
      %parallel_loop3A_134 = arith.addf %parallel_loop3A_105, %parallel_loop3A_133 : vector<16xf32>
      %parallel_loop3A_135 = arith.constant 128 : i32
      %parallel_loop3A_136 = arith.muli %parallel_loop3A_102, %parallel_loop3A_135 : i32
      %parallel_loop3A_137 = arith.constant 48 : i32
      %parallel_loop3A_138 = arith.addi %parallel_loop3A_136, %parallel_loop3A_137 : i32
      %parallel_loop3A_139 = arith.index_cast %parallel_loop3A_138 : i32 to index
      %parallel_loop3A_140 = tpu.vector_load %arg4[%parallel_loop3A_139] {strides = array<i32>} : memref<28800xf32, #tpu.memory_space<vmem>>, vector<16xf32>,
      %parallel_loop3A_141 = vector.shape_cast %parallel_loop3A_140 : vector<16xf32> to vector<16xf32>
      %parallel_loop3A_142 = arith.addf %parallel_loop3A_106, %parallel_loop3A_141 : vector<16xf32>
      %parallel_loop3A_143 = arith.constant 128 : i32
      %parallel_loop3A_144 = arith.muli %parallel_loop3A_102, %parallel_loop3A_143 : i32
      %parallel_loop3A_145 = arith.constant 64 : i32
      %parallel_loop3A_146 = arith.addi %parallel_loop3A_144, %parallel_loop3A_145 : i32
      %parallel_loop3A_147 = arith.index_cast %parallel_loop3A_146 : i32 to index
      %parallel_loop3A_148 = tpu.vector_load %arg4[%parallel_loop3A_147] {strides = array<i32>} : memref<28800xf32, #tpu.memory_space<vmem>>, vector<16xf32>,
      %parallel_loop3A_149 = vector.shape_cast %parallel_loop3A_148 : vector<16xf32> to vector<16xf32>
      %parallel_loop3A_150 = arith.addf %parallel_loop3A_107, %parallel_loop3A_149 : vector<16xf32>
      %parallel_loop3A_151 = arith.constant 128 : i32
      %parallel_loop3A_152 = arith.muli %parallel_loop3A_102, %parallel_loop3A_151 : i32
      %parallel_loop3A_153 = arith.constant 80 : i32
      %parallel_loop3A_154 = arith.addi %parallel_loop3A_152, %parallel_loop3A_153 : i32
      %parallel_loop3A_155 = arith.index_cast %parallel_loop3A_154 : i32 to index
      %parallel_loop3A_156 = tpu.vector_load %arg4[%parallel_loop3A_155] {strides = array<i32>} : memref<28800xf32, #tpu.memory_space<vmem>>, vector<16xf32>,
      %parallel_loop3A_157 = vector.shape_cast %parallel_loop3A_156 : vector<16xf32> to vector<16xf32>
      %parallel_loop3A_158 = arith.addf %parallel_loop3A_108, %parallel_loop3A_157 : vector<16xf32>
      %parallel_loop3A_159 = arith.constant 128 : i32
      %parallel_loop3A_160 = arith.muli %parallel_loop3A_102, %parallel_loop3A_159 : i32
      %parallel_loop3A_161 = arith.constant 96 : i32
      %parallel_loop3A_162 = arith.addi %parallel_loop3A_160, %parallel_loop3A_161 : i32
      %parallel_loop3A_163 = arith.index_cast %parallel_loop3A_162 : i32 to index
      %parallel_loop3A_164 = tpu.vector_load %arg4[%parallel_loop3A_163] {strides = array<i32>} : memref<28800xf32, #tpu.memory_space<vmem>>, vector<16xf32>,
      %parallel_loop3A_165 = vector.shape_cast %parallel_loop3A_164 : vector<16xf32> to vector<16xf32>
      %parallel_loop3A_166 = arith.addf %parallel_loop3A_109, %parallel_loop3A_165 : vector<16xf32>
      %parallel_loop3A_167 = arith.constant 128 : i32
      %parallel_loop3A_168 = arith.muli %parallel_loop3A_102, %parallel_loop3A_167 : i32
      %parallel_loop3A_169 = arith.constant 112 : i32
      %parallel_loop3A_170 = arith.addi %parallel_loop3A_168, %parallel_loop3A_169 : i32
      %parallel_loop3A_171 = arith.index_cast %parallel_loop3A_170 : i32 to index
      %parallel_loop3A_172 = tpu.vector_load %arg4[%parallel_loop3A_171] {strides = array<i32>} : memref<28800xf32, #tpu.memory_space<vmem>>, vector<16xf32>,
      %parallel_loop3A_173 = vector.shape_cast %parallel_loop3A_172 : vector<16xf32> to vector<16xf32>
      %parallel_loop3A_174 = arith.addf %parallel_loop3A_110, %parallel_loop3A_173 : vector<16xf32>
      scf.yield %parallel_loop3A_118, %parallel_loop3A_126, %parallel_loop3A_134, %parallel_loop3A_142, %parallel_loop3A_150, %parallel_loop3A_158, %parallel_loop3A_166, %parallel_loop3A_174 : vector<16xf32>, vector<16xf32>, vector<16xf32>, vector<16xf32>, vector<16xf32>, vector<16xf32>, vector<16xf32>, vector<16xf32>
    } {sc.loop_unroll_factor = 8 : i64, sc.parallel_access}
    %add3A_31 = arith.constant 57600 : i32
    %add3A_32 = arith.addi %mul3A_6, %add3A_31 : i32
    %dma_start3A_33 = tpu.memref_slice %arg2[%add3A_32] : memref<12800000xf32, #tpu.memory_space<hbm>> -> memref<28800xf32, #tpu.memory_space<hbm>>
    %dma_start3A_34 = tpu.memref_slice %arg2[%add3A_32] : memref<12800000xf32, #tpu.memory_space<hbm>> -> memref<28800xf32, #tpu.memory_space<hbm>>
    tpu.enqueue_dma source(%dma_start3A_34 : memref<28800xf32, #tpu.memory_space<hbm>>) target(%arg4 : memref<28800xf32, #tpu.memory_space<vmem>>) target_semaphore(%arg9 : memref<!tpu.dma_semaphore, #tpu.memory_space<semaphore_mem>>)
    %dma_wait3A_35 = tpu.memref_slice %arg2[%add3A_24] : memref<12800000xf32, #tpu.memory_space<hbm>> -> memref<28800xf32, #tpu.memory_space<hbm>>
    %dma_wait3A_36 = tpu.memref_slice %arg2[%add3A_24] : memref<12800000xf32, #tpu.memory_space<hbm>> -> memref<28800xf32, #tpu.memory_space<hbm>>
    tpu.wait_dma2 semaphore(%arg10 : memref<!tpu.dma_semaphore, #tpu.memory_space<semaphore_mem>>) src(%dma_wait3A_36 : memref<28800xf32, #tpu.memory_space<hbm>>) dst(%arg5 : memref<28800xf32, #tpu.memory_space<vmem>>)
    %parallel_loop3A_37 = arith.constant 0 : i32
    %parallel_loop3A_38 = arith.constant 225 : i32
    %parallel_loop3A_39 = arith.constant 1 : i32
    %parallel_loop3A_40:8 = scf.for %parallel_loop3A_102 = %parallel_loop3A_37 to %parallel_loop3A_38 step %parallel_loop3A_39 iter_args(%parallel_loop3A_103 = %parallel_loop3A_30#0, %parallel_loop3A_104 = %parallel_loop3A_30#1, %parallel_loop3A_105 = %parallel_loop3A_30#2, %parallel_loop3A_106 = %parallel_loop3A_30#3, %parallel_loop3A_107 = %parallel_loop3A_30#4, %parallel_loop3A_108 = %parallel_loop3A_30#5, %parallel_loop3A_109 = %parallel_loop3A_30#6, %parallel_loop3A_110 = %parallel_loop3A_30#7) -> (vector<16xf32>, vector<16xf32>, vector<16xf32>, vector<16xf32>, vector<16xf32>, vector<16xf32>, vector<16xf32>, vector<16xf32>)  : i32 {
      %parallel_loop3A_111 = arith.constant 128 : i32
      %parallel_loop3A_112 = arith.muli %parallel_loop3A_102, %parallel_loop3A_111 : i32
      %parallel_loop3A_113 = arith.constant 0 : i32
      %parallel_loop3A_114 = arith.addi %parallel_loop3A_112, %parallel_loop3A_113 : i32
      %parallel_loop3A_115 = arith.index_cast %parallel_loop3A_114 : i32 to index
      %parallel_loop3A_116 = tpu.vector_load %arg5[%parallel_loop3A_115] {strides = array<i32>} : memref<28800xf32, #tpu.memory_space<vmem>>, vector<16xf32>,
      %parallel_loop3A_117 = vector.shape_cast %parallel_loop3A_116 : vector<16xf32> to vector<16xf32>
      %parallel_loop3A_118 = arith.addf %parallel_loop3A_103, %parallel_loop3A_117 : vector<16xf32>
      %parallel_loop3A_119 = arith.constant 128 : i32
      %parallel_loop3A_120 = arith.muli %parallel_loop3A_102, %parallel_loop3A_119 : i32
      %parallel_loop3A_121 = arith.constant 16 : i32
      %parallel_loop3A_122 = arith.addi %parallel_loop3A_120, %parallel_loop3A_121 : i32
      %parallel_loop3A_123 = arith.index_cast %parallel_loop3A_122 : i32 to index
      %parallel_loop3A_124 = tpu.vector_load %arg5[%parallel_loop3A_123] {strides = array<i32>} : memref<28800xf32, #tpu.memory_space<vmem>>, vector<16xf32>,
      %parallel_loop3A_125 = vector.shape_cast %parallel_loop3A_124 : vector<16xf32> to vector<16xf32>
      %parallel_loop3A_126 = arith.addf %parallel_loop3A_104, %parallel_loop3A_125 : vector<16xf32>
      %parallel_loop3A_127 = arith.constant 128 : i32
      %parallel_loop3A_128 = arith.muli %parallel_loop3A_102, %parallel_loop3A_127 : i32
      %parallel_loop3A_129 = arith.constant 32 : i32
      %parallel_loop3A_130 = arith.addi %parallel_loop3A_128, %parallel_loop3A_129 : i32
      %parallel_loop3A_131 = arith.index_cast %parallel_loop3A_130 : i32 to index
      %parallel_loop3A_132 = tpu.vector_load %arg5[%parallel_loop3A_131] {strides = array<i32>} : memref<28800xf32, #tpu.memory_space<vmem>>, vector<16xf32>,
      %parallel_loop3A_133 = vector.shape_cast %parallel_loop3A_132 : vector<16xf32> to vector<16xf32>
      %parallel_loop3A_134 = arith.addf %parallel_loop3A_105, %parallel_loop3A_133 : vector<16xf32>
      %parallel_loop3A_135 = arith.constant 128 : i32
      %parallel_loop3A_136 = arith.muli %parallel_loop3A_102, %parallel_loop3A_135 : i32
      %parallel_loop3A_137 = arith.constant 48 : i32
      %parallel_loop3A_138 = arith.addi %parallel_loop3A_136, %parallel_loop3A_137 : i32
      %parallel_loop3A_139 = arith.index_cast %parallel_loop3A_138 : i32 to index
      %parallel_loop3A_140 = tpu.vector_load %arg5[%parallel_loop3A_139] {strides = array<i32>} : memref<28800xf32, #tpu.memory_space<vmem>>, vector<16xf32>,
      %parallel_loop3A_141 = vector.shape_cast %parallel_loop3A_140 : vector<16xf32> to vector<16xf32>
      %parallel_loop3A_142 = arith.addf %parallel_loop3A_106, %parallel_loop3A_141 : vector<16xf32>
      %parallel_loop3A_143 = arith.constant 128 : i32
      %parallel_loop3A_144 = arith.muli %parallel_loop3A_102, %parallel_loop3A_143 : i32
      %parallel_loop3A_145 = arith.constant 64 : i32
      %parallel_loop3A_146 = arith.addi %parallel_loop3A_144, %parallel_loop3A_145 : i32
      %parallel_loop3A_147 = arith.index_cast %parallel_loop3A_146 : i32 to index
      %parallel_loop3A_148 = tpu.vector_load %arg5[%parallel_loop3A_147] {strides = array<i32>} : memref<28800xf32, #tpu.memory_space<vmem>>, vector<16xf32>,
      %parallel_loop3A_149 = vector.shape_cast %parallel_loop3A_148 : vector<16xf32> to vector<16xf32>
      %parallel_loop3A_150 = arith.addf %parallel_loop3A_107, %parallel_loop3A_149 : vector<16xf32>
      %parallel_loop3A_151 = arith.constant 128 : i32
      %parallel_loop3A_152 = arith.muli %parallel_loop3A_102, %parallel_loop3A_151 : i32
      %parallel_loop3A_153 = arith.constant 80 : i32
      %parallel_loop3A_154 = arith.addi %parallel_loop3A_152, %parallel_loop3A_153 : i32
      %parallel_loop3A_155 = arith.index_cast %parallel_loop3A_154 : i32 to index
      %parallel_loop3A_156 = tpu.vector_load %arg5[%parallel_loop3A_155] {strides = array<i32>} : memref<28800xf32, #tpu.memory_space<vmem>>, vector<16xf32>,
      %parallel_loop3A_157 = vector.shape_cast %parallel_loop3A_156 : vector<16xf32> to vector<16xf32>
      %parallel_loop3A_158 = arith.addf %parallel_loop3A_108, %parallel_loop3A_157 : vector<16xf32>
      %parallel_loop3A_159 = arith.constant 128 : i32
      %parallel_loop3A_160 = arith.muli %parallel_loop3A_102, %parallel_loop3A_159 : i32
      %parallel_loop3A_161 = arith.constant 96 : i32
      %parallel_loop3A_162 = arith.addi %parallel_loop3A_160, %parallel_loop3A_161 : i32
      %parallel_loop3A_163 = arith.index_cast %parallel_loop3A_162 : i32 to index
      %parallel_loop3A_164 = tpu.vector_load %arg5[%parallel_loop3A_163] {strides = array<i32>} : memref<28800xf32, #tpu.memory_space<vmem>>, vector<16xf32>,
      %parallel_loop3A_165 = vector.shape_cast %parallel_loop3A_164 : vector<16xf32> to vector<16xf32>
      %parallel_loop3A_166 = arith.addf %parallel_loop3A_109, %parallel_loop3A_165 : vector<16xf32>
      %parallel_loop3A_167 = arith.constant 128 : i32
      %parallel_loop3A_168 = arith.muli %parallel_loop3A_102, %parallel_loop3A_167 : i32
      %parallel_loop3A_169 = arith.constant 112 : i32
      %parallel_loop3A_170 = arith.addi %parallel_loop3A_168, %parallel_loop3A_169 : i32
      %parallel_loop3A_171 = arith.index_cast %parallel_loop3A_170 : i32 to index
      %parallel_loop3A_172 = tpu.vector_load %arg5[%parallel_loop3A_171] {strides = array<i32>} : memref<28800xf32, #tpu.memory_space<vmem>>, vector<16xf32>,
      %parallel_loop3A_173 = vector.shape_cast %parallel_loop3A_172 : vector<16xf32> to vector<16xf32>
      %parallel_loop3A_174 = arith.addf %parallel_loop3A_110, %parallel_loop3A_173 : vector<16xf32>
      scf.yield %parallel_loop3A_118, %parallel_loop3A_126, %parallel_loop3A_134, %parallel_loop3A_142, %parallel_loop3A_150, %parallel_loop3A_158, %parallel_loop3A_166, %parallel_loop3A_174 : vector<16xf32>, vector<16xf32>, vector<16xf32>, vector<16xf32>, vector<16xf32>, vector<16xf32>, vector<16xf32>, vector<16xf32>
    } {sc.loop_unroll_factor = 8 : i64, sc.parallel_access}
    %add3A_41 = arith.constant 86400 : i32
    %add3A_42 = arith.addi %mul3A_6, %add3A_41 : i32
    %dma_start3A_43 = tpu.memref_slice %arg2[%add3A_42] : memref<12800000xf32, #tpu.memory_space<hbm>> -> memref<28800xf32, #tpu.memory_space<hbm>>
    %dma_start3A_44 = tpu.memref_slice %arg2[%add3A_42] : memref<12800000xf32, #tpu.memory_space<hbm>> -> memref<28800xf32, #tpu.memory_space<hbm>>
    tpu.enqueue_dma source(%dma_start3A_44 : memref<28800xf32, #tpu.memory_space<hbm>>) target(%arg5 : memref<28800xf32, #tpu.memory_space<vmem>>) target_semaphore(%arg10 : memref<!tpu.dma_semaphore, #tpu.memory_space<semaphore_mem>>)
    %dma_wait3A_45 = tpu.memref_slice %arg2[%add3A_32] : memref<12800000xf32, #tpu.memory_space<hbm>> -> memref<28800xf32, #tpu.memory_space<hbm>>
    %dma_wait3A_46 = tpu.memref_slice %arg2[%add3A_32] : memref<12800000xf32, #tpu.memory_space<hbm>> -> memref<28800xf32, #tpu.memory_space<hbm>>
    tpu.wait_dma2 semaphore(%arg9 : memref<!tpu.dma_semaphore, #tpu.memory_space<semaphore_mem>>) src(%dma_wait3A_46 : memref<28800xf32, #tpu.memory_space<hbm>>) dst(%arg4 : memref<28800xf32, #tpu.memory_space<vmem>>)
    %parallel_loop3A_47 = arith.constant 0 : i32
    %parallel_loop3A_48 = arith.constant 225 : i32
    %parallel_loop3A_49 = arith.constant 1 : i32
    %parallel_loop3A_50:8 = scf.for %parallel_loop3A_102 = %parallel_loop3A_47 to %parallel_loop3A_48 step %parallel_loop3A_49 iter_args(%parallel_loop3A_103 = %parallel_loop3A_40#0, %parallel_loop3A_104 = %parallel_loop3A_40#1, %parallel_loop3A_105 = %parallel_loop3A_40#2, %parallel_loop3A_106 = %parallel_loop3A_40#3, %parallel_loop3A_107 = %parallel_loop3A_40#4, %parallel_loop3A_108 = %parallel_loop3A_40#5, %parallel_loop3A_109 = %parallel_loop3A_40#6, %parallel_loop3A_110 = %parallel_loop3A_40#7) -> (vector<16xf32>, vector<16xf32>, vector<16xf32>, vector<16xf32>, vector<16xf32>, vector<16xf32>, vector<16xf32>, vector<16xf32>)  : i32 {
      %parallel_loop3A_111 = arith.constant 128 : i32
      %parallel_loop3A_112 = arith.muli %parallel_loop3A_102, %parallel_loop3A_111 : i32
      %parallel_loop3A_113 = arith.constant 0 : i32
      %parallel_loop3A_114 = arith.addi %parallel_loop3A_112, %parallel_loop3A_113 : i32
      %parallel_loop3A_115 = arith.index_cast %parallel_loop3A_114 : i32 to index
      %parallel_loop3A_116 = tpu.vector_load %arg4[%parallel_loop3A_115] {strides = array<i32>} : memref<28800xf32, #tpu.memory_space<vmem>>, vector<16xf32>,
      %parallel_loop3A_117 = vector.shape_cast %parallel_loop3A_116 : vector<16xf32> to vector<16xf32>
      %parallel_loop3A_118 = arith.addf %parallel_loop3A_103, %parallel_loop3A_117 : vector<16xf32>
      %parallel_loop3A_119 = arith.constant 128 : i32
      %parallel_loop3A_120 = arith.muli %parallel_loop3A_102, %parallel_loop3A_119 : i32
      %parallel_loop3A_121 = arith.constant 16 : i32
      %parallel_loop3A_122 = arith.addi %parallel_loop3A_120, %parallel_loop3A_121 : i32
      %parallel_loop3A_123 = arith.index_cast %parallel_loop3A_122 : i32 to index
      %parallel_loop3A_124 = tpu.vector_load %arg4[%parallel_loop3A_123] {strides = array<i32>} : memref<28800xf32, #tpu.memory_space<vmem>>, vector<16xf32>,
      %parallel_loop3A_125 = vector.shape_cast %parallel_loop3A_124 : vector<16xf32> to vector<16xf32>
      %parallel_loop3A_126 = arith.addf %parallel_loop3A_104, %parallel_loop3A_125 : vector<16xf32>
      %parallel_loop3A_127 = arith.constant 128 : i32
      %parallel_loop3A_128 = arith.muli %parallel_loop3A_102, %parallel_loop3A_127 : i32
      %parallel_loop3A_129 = arith.constant 32 : i32
      %parallel_loop3A_130 = arith.addi %parallel_loop3A_128, %parallel_loop3A_129 : i32
      %parallel_loop3A_131 = arith.index_cast %parallel_loop3A_130 : i32 to index
      %parallel_loop3A_132 = tpu.vector_load %arg4[%parallel_loop3A_131] {strides = array<i32>} : memref<28800xf32, #tpu.memory_space<vmem>>, vector<16xf32>,
      %parallel_loop3A_133 = vector.shape_cast %parallel_loop3A_132 : vector<16xf32> to vector<16xf32>
      %parallel_loop3A_134 = arith.addf %parallel_loop3A_105, %parallel_loop3A_133 : vector<16xf32>
      %parallel_loop3A_135 = arith.constant 128 : i32
      %parallel_loop3A_136 = arith.muli %parallel_loop3A_102, %parallel_loop3A_135 : i32
      %parallel_loop3A_137 = arith.constant 48 : i32
      %parallel_loop3A_138 = arith.addi %parallel_loop3A_136, %parallel_loop3A_137 : i32
      %parallel_loop3A_139 = arith.index_cast %parallel_loop3A_138 : i32 to index
      %parallel_loop3A_140 = tpu.vector_load %arg4[%parallel_loop3A_139] {strides = array<i32>} : memref<28800xf32, #tpu.memory_space<vmem>>, vector<16xf32>,
      %parallel_loop3A_141 = vector.shape_cast %parallel_loop3A_140 : vector<16xf32> to vector<16xf32>
      %parallel_loop3A_142 = arith.addf %parallel_loop3A_106, %parallel_loop3A_141 : vector<16xf32>
      %parallel_loop3A_143 = arith.constant 128 : i32
      %parallel_loop3A_144 = arith.muli %parallel_loop3A_102, %parallel_loop3A_143 : i32
      %parallel_loop3A_145 = arith.constant 64 : i32
      %parallel_loop3A_146 = arith.addi %parallel_loop3A_144, %parallel_loop3A_145 : i32
      %parallel_loop3A_147 = arith.index_cast %parallel_loop3A_146 : i32 to index
      %parallel_loop3A_148 = tpu.vector_load %arg4[%parallel_loop3A_147] {strides = array<i32>} : memref<28800xf32, #tpu.memory_space<vmem>>, vector<16xf32>,
      %parallel_loop3A_149 = vector.shape_cast %parallel_loop3A_148 : vector<16xf32> to vector<16xf32>
      %parallel_loop3A_150 = arith.addf %parallel_loop3A_107, %parallel_loop3A_149 : vector<16xf32>
      %parallel_loop3A_151 = arith.constant 128 : i32
      %parallel_loop3A_152 = arith.muli %parallel_loop3A_102, %parallel_loop3A_151 : i32
      %parallel_loop3A_153 = arith.constant 80 : i32
      %parallel_loop3A_154 = arith.addi %parallel_loop3A_152, %parallel_loop3A_153 : i32
      %parallel_loop3A_155 = arith.index_cast %parallel_loop3A_154 : i32 to index
      %parallel_loop3A_156 = tpu.vector_load %arg4[%parallel_loop3A_155] {strides = array<i32>} : memref<28800xf32, #tpu.memory_space<vmem>>, vector<16xf32>,
      %parallel_loop3A_157 = vector.shape_cast %parallel_loop3A_156 : vector<16xf32> to vector<16xf32>
      %parallel_loop3A_158 = arith.addf %parallel_loop3A_108, %parallel_loop3A_157 : vector<16xf32>
      %parallel_loop3A_159 = arith.constant 128 : i32
      %parallel_loop3A_160 = arith.muli %parallel_loop3A_102, %parallel_loop3A_159 : i32
      %parallel_loop3A_161 = arith.constant 96 : i32
      %parallel_loop3A_162 = arith.addi %parallel_loop3A_160, %parallel_loop3A_161 : i32
      %parallel_loop3A_163 = arith.index_cast %parallel_loop3A_162 : i32 to index
      %parallel_loop3A_164 = tpu.vector_load %arg4[%parallel_loop3A_163] {strides = array<i32>} : memref<28800xf32, #tpu.memory_space<vmem>>, vector<16xf32>,
      %parallel_loop3A_165 = vector.shape_cast %parallel_loop3A_164 : vector<16xf32> to vector<16xf32>
      %parallel_loop3A_166 = arith.addf %parallel_loop3A_109, %parallel_loop3A_165 : vector<16xf32>
      %parallel_loop3A_167 = arith.constant 128 : i32
      %parallel_loop3A_168 = arith.muli %parallel_loop3A_102, %parallel_loop3A_167 : i32
      %parallel_loop3A_169 = arith.constant 112 : i32
      %parallel_loop3A_170 = arith.addi %parallel_loop3A_168, %parallel_loop3A_169 : i32
      %parallel_loop3A_171 = arith.index_cast %parallel_loop3A_170 : i32 to index
      %parallel_loop3A_172 = tpu.vector_load %arg4[%parallel_loop3A_171] {strides = array<i32>} : memref<28800xf32, #tpu.memory_space<vmem>>, vector<16xf32>,
      %parallel_loop3A_173 = vector.shape_cast %parallel_loop3A_172 : vector<16xf32> to vector<16xf32>
      %parallel_loop3A_174 = arith.addf %parallel_loop3A_110, %parallel_loop3A_173 : vector<16xf32>
      scf.yield %parallel_loop3A_118, %parallel_loop3A_126, %parallel_loop3A_134, %parallel_loop3A_142, %parallel_loop3A_150, %parallel_loop3A_158, %parallel_loop3A_166, %parallel_loop3A_174 : vector<16xf32>, vector<16xf32>, vector<16xf32>, vector<16xf32>, vector<16xf32>, vector<16xf32>, vector<16xf32>, vector<16xf32>
    } {sc.loop_unroll_factor = 8 : i64, sc.parallel_access}
    %add3A_51 = arith.constant 115200 : i32
    %add3A_52 = arith.addi %mul3A_6, %add3A_51 : i32
    %dma_start3A_53 = tpu.memref_slice %arg2[%add3A_52] : memref<12800000xf32, #tpu.memory_space<hbm>> -> memref<28800xf32, #tpu.memory_space<hbm>>
    %dma_start3A_54 = tpu.memref_slice %arg2[%add3A_52] : memref<12800000xf32, #tpu.memory_space<hbm>> -> memref<28800xf32, #tpu.memory_space<hbm>>
    tpu.enqueue_dma source(%dma_start3A_54 : memref<28800xf32, #tpu.memory_space<hbm>>) target(%arg4 : memref<28800xf32, #tpu.memory_space<vmem>>) target_semaphore(%arg9 : memref<!tpu.dma_semaphore, #tpu.memory_space<semaphore_mem>>)
    %dma_wait3A_55 = tpu.memref_slice %arg2[%add3A_42] : memref<12800000xf32, #tpu.memory_space<hbm>> -> memref<28800xf32, #tpu.memory_space<hbm>>
    %dma_wait3A_56 = tpu.memref_slice %arg2[%add3A_42] : memref<12800000xf32, #tpu.memory_space<hbm>> -> memref<28800xf32, #tpu.memory_space<hbm>>
    tpu.wait_dma2 semaphore(%arg10 : memref<!tpu.dma_semaphore, #tpu.memory_space<semaphore_mem>>) src(%dma_wait3A_56 : memref<28800xf32, #tpu.memory_space<hbm>>) dst(%arg5 : memref<28800xf32, #tpu.memory_space<vmem>>)
    %parallel_loop3A_57 = arith.constant 0 : i32
    %parallel_loop3A_58 = arith.constant 225 : i32
    %parallel_loop3A_59 = arith.constant 1 : i32
    %parallel_loop3A_60:8 = scf.for %parallel_loop3A_102 = %parallel_loop3A_57 to %parallel_loop3A_58 step %parallel_loop3A_59 iter_args(%parallel_loop3A_103 = %parallel_loop3A_50#0, %parallel_loop3A_104 = %parallel_loop3A_50#1, %parallel_loop3A_105 = %parallel_loop3A_50#2, %parallel_loop3A_106 = %parallel_loop3A_50#3, %parallel_loop3A_107 = %parallel_loop3A_50#4, %parallel_loop3A_108 = %parallel_loop3A_50#5, %parallel_loop3A_109 = %parallel_loop3A_50#6, %parallel_loop3A_110 = %parallel_loop3A_50#7) -> (vector<16xf32>, vector<16xf32>, vector<16xf32>, vector<16xf32>, vector<16xf32>, vector<16xf32>, vector<16xf32>, vector<16xf32>)  : i32 {
      %parallel_loop3A_111 = arith.constant 128 : i32
      %parallel_loop3A_112 = arith.muli %parallel_loop3A_102, %parallel_loop3A_111 : i32
      %parallel_loop3A_113 = arith.constant 0 : i32
      %parallel_loop3A_114 = arith.addi %parallel_loop3A_112, %parallel_loop3A_113 : i32
      %parallel_loop3A_115 = arith.index_cast %parallel_loop3A_114 : i32 to index
      %parallel_loop3A_116 = tpu.vector_load %arg5[%parallel_loop3A_115] {strides = array<i32>} : memref<28800xf32, #tpu.memory_space<vmem>>, vector<16xf32>,
      %parallel_loop3A_117 = vector.shape_cast %parallel_loop3A_116 : vector<16xf32> to vector<16xf32>
      %parallel_loop3A_118 = arith.addf %parallel_loop3A_103, %parallel_loop3A_117 : vector<16xf32>
      %parallel_loop3A_119 = arith.constant 128 : i32
      %parallel_loop3A_120 = arith.muli %parallel_loop3A_102, %parallel_loop3A_119 : i32
      %parallel_loop3A_121 = arith.constant 16 : i32
      %parallel_loop3A_122 = arith.addi %parallel_loop3A_120, %parallel_loop3A_121 : i32
      %parallel_loop3A_123 = arith.index_cast %parallel_loop3A_122 : i32 to index
      %parallel_loop3A_124 = tpu.vector_load %arg5[%parallel_loop3A_123] {strides = array<i32>} : memref<28800xf32, #tpu.memory_space<vmem>>, vector<16xf32>,
      %parallel_loop3A_125 = vector.shape_cast %parallel_loop3A_124 : vector<16xf32> to vector<16xf32>
      %parallel_loop3A_126 = arith.addf %parallel_loop3A_104, %parallel_loop3A_125 : vector<16xf32>
      %parallel_loop3A_127 = arith.constant 128 : i32
      %parallel_loop3A_128 = arith.muli %parallel_loop3A_102, %parallel_loop3A_127 : i32
      %parallel_loop3A_129 = arith.constant 32 : i32
      %parallel_loop3A_130 = arith.addi %parallel_loop3A_128, %parallel_loop3A_129 : i32
      %parallel_loop3A_131 = arith.index_cast %parallel_loop3A_130 : i32 to index
      %parallel_loop3A_132 = tpu.vector_load %arg5[%parallel_loop3A_131] {strides = array<i32>} : memref<28800xf32, #tpu.memory_space<vmem>>, vector<16xf32>,
      %parallel_loop3A_133 = vector.shape_cast %parallel_loop3A_132 : vector<16xf32> to vector<16xf32>
      %parallel_loop3A_134 = arith.addf %parallel_loop3A_105, %parallel_loop3A_133 : vector<16xf32>
      %parallel_loop3A_135 = arith.constant 128 : i32
      %parallel_loop3A_136 = arith.muli %parallel_loop3A_102, %parallel_loop3A_135 : i32
      %parallel_loop3A_137 = arith.constant 48 : i32
      %parallel_loop3A_138 = arith.addi %parallel_loop3A_136, %parallel_loop3A_137 : i32
      %parallel_loop3A_139 = arith.index_cast %parallel_loop3A_138 : i32 to index
      %parallel_loop3A_140 = tpu.vector_load %arg5[%parallel_loop3A_139] {strides = array<i32>} : memref<28800xf32, #tpu.memory_space<vmem>>, vector<16xf32>,
      %parallel_loop3A_141 = vector.shape_cast %parallel_loop3A_140 : vector<16xf32> to vector<16xf32>
      %parallel_loop3A_142 = arith.addf %parallel_loop3A_106, %parallel_loop3A_141 : vector<16xf32>
      %parallel_loop3A_143 = arith.constant 128 : i32
      %parallel_loop3A_144 = arith.muli %parallel_loop3A_102, %parallel_loop3A_143 : i32
      %parallel_loop3A_145 = arith.constant 64 : i32
      %parallel_loop3A_146 = arith.addi %parallel_loop3A_144, %parallel_loop3A_145 : i32
      %parallel_loop3A_147 = arith.index_cast %parallel_loop3A_146 : i32 to index
      %parallel_loop3A_148 = tpu.vector_load %arg5[%parallel_loop3A_147] {strides = array<i32>} : memref<28800xf32, #tpu.memory_space<vmem>>, vector<16xf32>,
      %parallel_loop3A_149 = vector.shape_cast %parallel_loop3A_148 : vector<16xf32> to vector<16xf32>
      %parallel_loop3A_150 = arith.addf %parallel_loop3A_107, %parallel_loop3A_149 : vector<16xf32>
      %parallel_loop3A_151 = arith.constant 128 : i32
      %parallel_loop3A_152 = arith.muli %parallel_loop3A_102, %parallel_loop3A_151 : i32
      %parallel_loop3A_153 = arith.constant 80 : i32
      %parallel_loop3A_154 = arith.addi %parallel_loop3A_152, %parallel_loop3A_153 : i32
      %parallel_loop3A_155 = arith.index_cast %parallel_loop3A_154 : i32 to index
      %parallel_loop3A_156 = tpu.vector_load %arg5[%parallel_loop3A_155] {strides = array<i32>} : memref<28800xf32, #tpu.memory_space<vmem>>, vector<16xf32>,
      %parallel_loop3A_157 = vector.shape_cast %parallel_loop3A_156 : vector<16xf32> to vector<16xf32>
      %parallel_loop3A_158 = arith.addf %parallel_loop3A_108, %parallel_loop3A_157 : vector<16xf32>
      %parallel_loop3A_159 = arith.constant 128 : i32
      %parallel_loop3A_160 = arith.muli %parallel_loop3A_102, %parallel_loop3A_159 : i32
      %parallel_loop3A_161 = arith.constant 96 : i32
      %parallel_loop3A_162 = arith.addi %parallel_loop3A_160, %parallel_loop3A_161 : i32
      %parallel_loop3A_163 = arith.index_cast %parallel_loop3A_162 : i32 to index
      %parallel_loop3A_164 = tpu.vector_load %arg5[%parallel_loop3A_163] {strides = array<i32>} : memref<28800xf32, #tpu.memory_space<vmem>>, vector<16xf32>,
      %parallel_loop3A_165 = vector.shape_cast %parallel_loop3A_164 : vector<16xf32> to vector<16xf32>
      %parallel_loop3A_166 = arith.addf %parallel_loop3A_109, %parallel_loop3A_165 : vector<16xf32>
      %parallel_loop3A_167 = arith.constant 128 : i32
      %parallel_loop3A_168 = arith.muli %parallel_loop3A_102, %parallel_loop3A_167 : i32
      %parallel_loop3A_169 = arith.constant 112 : i32
      %parallel_loop3A_170 = arith.addi %parallel_loop3A_168, %parallel_loop3A_169 : i32
      %parallel_loop3A_171 = arith.index_cast %parallel_loop3A_170 : i32 to index
      %parallel_loop3A_172 = tpu.vector_load %arg5[%parallel_loop3A_171] {strides = array<i32>} : memref<28800xf32, #tpu.memory_space<vmem>>, vector<16xf32>,
      %parallel_loop3A_173 = vector.shape_cast %parallel_loop3A_172 : vector<16xf32> to vector<16xf32>
      %parallel_loop3A_174 = arith.addf %parallel_loop3A_110, %parallel_loop3A_173 : vector<16xf32>
      scf.yield %parallel_loop3A_118, %parallel_loop3A_126, %parallel_loop3A_134, %parallel_loop3A_142, %parallel_loop3A_150, %parallel_loop3A_158, %parallel_loop3A_166, %parallel_loop3A_174 : vector<16xf32>, vector<16xf32>, vector<16xf32>, vector<16xf32>, vector<16xf32>, vector<16xf32>, vector<16xf32>, vector<16xf32>
    } {sc.loop_unroll_factor = 8 : i64, sc.parallel_access}
    %dma_wait3A_61 = tpu.memref_slice %arg2[%add3A_52] : memref<12800000xf32, #tpu.memory_space<hbm>> -> memref<28800xf32, #tpu.memory_space<hbm>>
    %dma_wait3A_62 = tpu.memref_slice %arg2[%add3A_52] : memref<12800000xf32, #tpu.memory_space<hbm>> -> memref<28800xf32, #tpu.memory_space<hbm>>
    tpu.wait_dma2 semaphore(%arg9 : memref<!tpu.dma_semaphore, #tpu.memory_space<semaphore_mem>>) src(%dma_wait3A_62 : memref<28800xf32, #tpu.memory_space<hbm>>) dst(%arg4 : memref<28800xf32, #tpu.memory_space<vmem>>)
    %parallel_loop3A_63 = arith.constant 0 : i32
    %parallel_loop3A_64 = arith.constant 225 : i32
    %parallel_loop3A_65 = arith.constant 1 : i32
    %parallel_loop3A_66:8 = scf.for %parallel_loop3A_102 = %parallel_loop3A_63 to %parallel_loop3A_64 step %parallel_loop3A_65 iter_args(%parallel_loop3A_103 = %parallel_loop3A_60#0, %parallel_loop3A_104 = %parallel_loop3A_60#1, %parallel_loop3A_105 = %parallel_loop3A_60#2, %parallel_loop3A_106 = %parallel_loop3A_60#3, %parallel_loop3A_107 = %parallel_loop3A_60#4, %parallel_loop3A_108 = %parallel_loop3A_60#5, %parallel_loop3A_109 = %parallel_loop3A_60#6, %parallel_loop3A_110 = %parallel_loop3A_60#7) -> (vector<16xf32>, vector<16xf32>, vector<16xf32>, vector<16xf32>, vector<16xf32>, vector<16xf32>, vector<16xf32>, vector<16xf32>)  : i32 {
      %parallel_loop3A_111 = arith.constant 128 : i32
      %parallel_loop3A_112 = arith.muli %parallel_loop3A_102, %parallel_loop3A_111 : i32
      %parallel_loop3A_113 = arith.constant 0 : i32
      %parallel_loop3A_114 = arith.addi %parallel_loop3A_112, %parallel_loop3A_113 : i32
      %parallel_loop3A_115 = arith.index_cast %parallel_loop3A_114 : i32 to index
      %parallel_loop3A_116 = tpu.vector_load %arg4[%parallel_loop3A_115] {strides = array<i32>} : memref<28800xf32, #tpu.memory_space<vmem>>, vector<16xf32>,
      %parallel_loop3A_117 = vector.shape_cast %parallel_loop3A_116 : vector<16xf32> to vector<16xf32>
      %parallel_loop3A_118 = arith.addf %parallel_loop3A_103, %parallel_loop3A_117 : vector<16xf32>
      %parallel_loop3A_119 = arith.constant 128 : i32
      %parallel_loop3A_120 = arith.muli %parallel_loop3A_102, %parallel_loop3A_119 : i32
      %parallel_loop3A_121 = arith.constant 16 : i32
      %parallel_loop3A_122 = arith.addi %parallel_loop3A_120, %parallel_loop3A_121 : i32
      %parallel_loop3A_123 = arith.index_cast %parallel_loop3A_122 : i32 to index
      %parallel_loop3A_124 = tpu.vector_load %arg4[%parallel_loop3A_123] {strides = array<i32>} : memref<28800xf32, #tpu.memory_space<vmem>>, vector<16xf32>,
      %parallel_loop3A_125 = vector.shape_cast %parallel_loop3A_124 : vector<16xf32> to vector<16xf32>
      %parallel_loop3A_126 = arith.addf %parallel_loop3A_104, %parallel_loop3A_125 : vector<16xf32>
      %parallel_loop3A_127 = arith.constant 128 : i32
      %parallel_loop3A_128 = arith.muli %parallel_loop3A_102, %parallel_loop3A_127 : i32
      %parallel_loop3A_129 = arith.constant 32 : i32
      %parallel_loop3A_130 = arith.addi %parallel_loop3A_128, %parallel_loop3A_129 : i32
      %parallel_loop3A_131 = arith.index_cast %parallel_loop3A_130 : i32 to index
      %parallel_loop3A_132 = tpu.vector_load %arg4[%parallel_loop3A_131] {strides = array<i32>} : memref<28800xf32, #tpu.memory_space<vmem>>, vector<16xf32>,
      %parallel_loop3A_133 = vector.shape_cast %parallel_loop3A_132 : vector<16xf32> to vector<16xf32>
      %parallel_loop3A_134 = arith.addf %parallel_loop3A_105, %parallel_loop3A_133 : vector<16xf32>
      %parallel_loop3A_135 = arith.constant 128 : i32
      %parallel_loop3A_136 = arith.muli %parallel_loop3A_102, %parallel_loop3A_135 : i32
      %parallel_loop3A_137 = arith.constant 48 : i32
      %parallel_loop3A_138 = arith.addi %parallel_loop3A_136, %parallel_loop3A_137 : i32
      %parallel_loop3A_139 = arith.index_cast %parallel_loop3A_138 : i32 to index
      %parallel_loop3A_140 = tpu.vector_load %arg4[%parallel_loop3A_139] {strides = array<i32>} : memref<28800xf32, #tpu.memory_space<vmem>>, vector<16xf32>,
      %parallel_loop3A_141 = vector.shape_cast %parallel_loop3A_140 : vector<16xf32> to vector<16xf32>
      %parallel_loop3A_142 = arith.addf %parallel_loop3A_106, %parallel_loop3A_141 : vector<16xf32>
      %parallel_loop3A_143 = arith.constant 128 : i32
      %parallel_loop3A_144 = arith.muli %parallel_loop3A_102, %parallel_loop3A_143 : i32
      %parallel_loop3A_145 = arith.constant 64 : i32
      %parallel_loop3A_146 = arith.addi %parallel_loop3A_144, %parallel_loop3A_145 : i32
      %parallel_loop3A_147 = arith.index_cast %parallel_loop3A_146 : i32 to index
      %parallel_loop3A_148 = tpu.vector_load %arg4[%parallel_loop3A_147] {strides = array<i32>} : memref<28800xf32, #tpu.memory_space<vmem>>, vector<16xf32>,
      %parallel_loop3A_149 = vector.shape_cast %parallel_loop3A_148 : vector<16xf32> to vector<16xf32>
      %parallel_loop3A_150 = arith.addf %parallel_loop3A_107, %parallel_loop3A_149 : vector<16xf32>
      %parallel_loop3A_151 = arith.constant 128 : i32
      %parallel_loop3A_152 = arith.muli %parallel_loop3A_102, %parallel_loop3A_151 : i32
      %parallel_loop3A_153 = arith.constant 80 : i32
      %parallel_loop3A_154 = arith.addi %parallel_loop3A_152, %parallel_loop3A_153 : i32
      %parallel_loop3A_155 = arith.index_cast %parallel_loop3A_154 : i32 to index
      %parallel_loop3A_156 = tpu.vector_load %arg4[%parallel_loop3A_155] {strides = array<i32>} : memref<28800xf32, #tpu.memory_space<vmem>>, vector<16xf32>,
      %parallel_loop3A_157 = vector.shape_cast %parallel_loop3A_156 : vector<16xf32> to vector<16xf32>
      %parallel_loop3A_158 = arith.addf %parallel_loop3A_108, %parallel_loop3A_157 : vector<16xf32>
      %parallel_loop3A_159 = arith.constant 128 : i32
      %parallel_loop3A_160 = arith.muli %parallel_loop3A_102, %parallel_loop3A_159 : i32
      %parallel_loop3A_161 = arith.constant 96 : i32
      %parallel_loop3A_162 = arith.addi %parallel_loop3A_160, %parallel_loop3A_161 : i32
      %parallel_loop3A_163 = arith.index_cast %parallel_loop3A_162 : i32 to index
      %parallel_loop3A_164 = tpu.vector_load %arg4[%parallel_loop3A_163] {strides = array<i32>} : memref<28800xf32, #tpu.memory_space<vmem>>, vector<16xf32>,
      %parallel_loop3A_165 = vector.shape_cast %parallel_loop3A_164 : vector<16xf32> to vector<16xf32>
      %parallel_loop3A_166 = arith.addf %parallel_loop3A_109, %parallel_loop3A_165 : vector<16xf32>
      %parallel_loop3A_167 = arith.constant 128 : i32
      %parallel_loop3A_168 = arith.muli %parallel_loop3A_102, %parallel_loop3A_167 : i32
      %parallel_loop3A_169 = arith.constant 112 : i32
      %parallel_loop3A_170 = arith.addi %parallel_loop3A_168, %parallel_loop3A_169 : i32
      %parallel_loop3A_171 = arith.index_cast %parallel_loop3A_170 : i32 to index
      %parallel_loop3A_172 = tpu.vector_load %arg4[%parallel_loop3A_171] {strides = array<i32>} : memref<28800xf32, #tpu.memory_space<vmem>>, vector<16xf32>,
      %parallel_loop3A_173 = vector.shape_cast %parallel_loop3A_172 : vector<16xf32> to vector<16xf32>
      %parallel_loop3A_174 = arith.addf %parallel_loop3A_110, %parallel_loop3A_173 : vector<16xf32>
      scf.yield %parallel_loop3A_118, %parallel_loop3A_126, %parallel_loop3A_134, %parallel_loop3A_142, %parallel_loop3A_150, %parallel_loop3A_158, %parallel_loop3A_166, %parallel_loop3A_174 : vector<16xf32>, vector<16xf32>, vector<16xf32>, vector<16xf32>, vector<16xf32>, vector<16xf32>, vector<16xf32>, vector<16xf32>
    } {sc.loop_unroll_factor = 8 : i64, sc.parallel_access}
    %swap3A = arith.constant 0 : index
    %swap3A_67 = tpu.vector_load %arg6[%swap3A] {strides = array<i32>} : memref<128xf32, #tpu.memory_space<vmem>>, vector<16xf32>,
    %swap3A_68 = vector.shape_cast %swap3A_67 : vector<16xf32> to vector<16xf32>
    %swap3A_69 = vector.shape_cast %parallel_loop3A_66#0 : vector<16xf32> to vector<16xf32>
    tpu.vector_store %arg6[%swap3A], %swap3A_69 {strides = array<i32>} : memref<128xf32, #tpu.memory_space<vmem>>, vector<16xf32>,
    %swap3A_70 = arith.constant 16 : index
    %swap3A_71 = tpu.vector_load %arg6[%swap3A_70] {strides = array<i32>} : memref<128xf32, #tpu.memory_space<vmem>>, vector<16xf32>,
    %swap3A_72 = vector.shape_cast %swap3A_71 : vector<16xf32> to vector<16xf32>
    %swap3A_73 = vector.shape_cast %parallel_loop3A_66#1 : vector<16xf32> to vector<16xf32>
    tpu.vector_store %arg6[%swap3A_70], %swap3A_73 {strides = array<i32>} : memref<128xf32, #tpu.memory_space<vmem>>, vector<16xf32>,
    %swap3A_74 = arith.constant 32 : index
    %swap3A_75 = tpu.vector_load %arg6[%swap3A_74] {strides = array<i32>} : memref<128xf32, #tpu.memory_space<vmem>>, vector<16xf32>,
    %swap3A_76 = vector.shape_cast %swap3A_75 : vector<16xf32> to vector<16xf32>
    %swap3A_77 = vector.shape_cast %parallel_loop3A_66#2 : vector<16xf32> to vector<16xf32>
    tpu.vector_store %arg6[%swap3A_74], %swap3A_77 {strides = array<i32>} : memref<128xf32, #tpu.memory_space<vmem>>, vector<16xf32>,
    %swap3A_78 = arith.constant 48 : index
    %swap3A_79 = tpu.vector_load %arg6[%swap3A_78] {strides = array<i32>} : memref<128xf32, #tpu.memory_space<vmem>>, vector<16xf32>,
    %swap3A_80 = vector.shape_cast %swap3A_79 : vector<16xf32> to vector<16xf32>
    %swap3A_81 = vector.shape_cast %parallel_loop3A_66#3 : vector<16xf32> to vector<16xf32>
    tpu.vector_store %arg6[%swap3A_78], %swap3A_81 {strides = array<i32>} : memref<128xf32, #tpu.memory_space<vmem>>, vector<16xf32>,
    %swap3A_82 = arith.constant 64 : index
    %swap3A_83 = tpu.vector_load %arg6[%swap3A_82] {strides = array<i32>} : memref<128xf32, #tpu.memory_space<vmem>>, vector<16xf32>,
    %swap3A_84 = vector.shape_cast %swap3A_83 : vector<16xf32> to vector<16xf32>
    %swap3A_85 = vector.shape_cast %parallel_loop3A_66#4 : vector<16xf32> to vector<16xf32>
    tpu.vector_store %arg6[%swap3A_82], %swap3A_85 {strides = array<i32>} : memref<128xf32, #tpu.memory_space<vmem>>, vector<16xf32>,
    %swap3A_86 = arith.constant 80 : index
    %swap3A_87 = tpu.vector_load %arg6[%swap3A_86] {strides = array<i32>} : memref<128xf32, #tpu.memory_space<vmem>>, vector<16xf32>,
    %swap3A_88 = vector.shape_cast %swap3A_87 : vector<16xf32> to vector<16xf32>
    %swap3A_89 = vector.shape_cast %parallel_loop3A_66#5 : vector<16xf32> to vector<16xf32>
    tpu.vector_store %arg6[%swap3A_86], %swap3A_89 {strides = array<i32>} : memref<128xf32, #tpu.memory_space<vmem>>, vector<16xf32>,
    %swap3A_90 = arith.constant 96 : index
    %swap3A_91 = tpu.vector_load %arg6[%swap3A_90] {strides = array<i32>} : memref<128xf32, #tpu.memory_space<vmem>>, vector<16xf32>,
    %swap3A_92 = vector.shape_cast %swap3A_91 : vector<16xf32> to vector<16xf32>
    %swap3A_93 = vector.shape_cast %parallel_loop3A_66#6 : vector<16xf32> to vector<16xf32>
    tpu.vector_store %arg6[%swap3A_90], %swap3A_93 {strides = array<i32>} : memref<128xf32, #tpu.memory_space<vmem>>, vector<16xf32>,
    %swap3A_94 = arith.constant 112 : index
    %swap3A_95 = tpu.vector_load %arg6[%swap3A_94] {strides = array<i32>} : memref<128xf32, #tpu.memory_space<vmem>>, vector<16xf32>,
    %swap3A_96 = vector.shape_cast %swap3A_95 : vector<16xf32> to vector<16xf32>
    %swap3A_97 = vector.shape_cast %parallel_loop3A_66#7 : vector<16xf32> to vector<16xf32>
    tpu.vector_store %arg6[%swap3A_94], %swap3A_97 {strides = array<i32>} : memref<128xf32, #tpu.memory_space<vmem>>, vector<16xf32>,
    %mul3A_98 = arith.constant 128 : i32
    %mul3A_99 = arith.muli %arg1, %mul3A_98 : i32
    "tpu.region"() ({
      %run_scoped3A = tpu.sem_alloc : memref<!tpu.dma_semaphore, #tpu.memory_space<semaphore_mem>>
      %dma_start3A_102 = tpu.memref_slice %arg8[%mul3A_99] : memref<2048xf32, #tpu.memory_space<vmem_shared>> -> memref<128xf32, #tpu.memory_space<vmem_shared>>
      %dma_start3A_103 = tpu.memref_slice %arg8[%mul3A_99] : memref<2048xf32, #tpu.memory_space<vmem_shared>> -> memref<128xf32, #tpu.memory_space<vmem_shared>>
      tpu.enqueue_dma source(%arg6 : memref<128xf32, #tpu.memory_space<vmem>>) target(%dma_start3A_103 : memref<128xf32, #tpu.memory_space<vmem_shared>>) target_semaphore(%run_scoped3A : memref<!tpu.dma_semaphore, #tpu.memory_space<semaphore_mem>>)
      %dma_wait3A_104 = tpu.memref_slice %arg8[%mul3A_99] : memref<2048xf32, #tpu.memory_space<vmem_shared>> -> memref<128xf32, #tpu.memory_space<vmem_shared>>
      %dma_wait3A_105 = tpu.memref_slice %arg8[%mul3A_99] : memref<2048xf32, #tpu.memory_space<vmem_shared>> -> memref<128xf32, #tpu.memory_space<vmem_shared>>
      tpu.wait_dma2 semaphore(%run_scoped3A : memref<!tpu.dma_semaphore, #tpu.memory_space<semaphore_mem>>) src(%arg6 : memref<128xf32, #tpu.memory_space<vmem>>) dst(%dma_wait3A_105 : memref<128xf32, #tpu.memory_space<vmem_shared>>)
      tpu.yield
    }) : () -> ()
    %barrier3A = arith.constant 0 : index
    tpu.barrier barrier_id(%barrier3A)
    %eq3A = arith.constant 0 : i32
    %eq3A_100 = arith.cmpi eq, %arg1, %eq3A : i32
    %convert_element_type3A = arith.extui %eq3A_100 : i1 to i32
    %cond3A = arith.constant 0 : i32
    %cond3A_101 = arith.cmpi ne, %convert_element_type3A, %cond3A : i32
    scf.if %cond3A_101 {
      "tpu.region"() ({
        %run_scoped3A = tpu.sem_alloc : memref<!tpu.dma_semaphore, #tpu.memory_space<semaphore_mem>>
        tpu.enqueue_dma source(%arg8 : memref<2048xf32, #tpu.memory_space<vmem_shared>>) target(%arg7 : memref<2048xf32, #tpu.memory_space<vmem>>) target_semaphore(%run_scoped3A : memref<!tpu.dma_semaphore, #tpu.memory_space<semaphore_mem>>)
        tpu.wait_dma2 semaphore(%run_scoped3A : memref<!tpu.dma_semaphore, #tpu.memory_space<semaphore_mem>>) src(%arg8 : memref<2048xf32, #tpu.memory_space<vmem_shared>>) dst(%arg7 : memref<2048xf32, #tpu.memory_space<vmem>>)
        tpu.yield
      }) : () -> ()
      %broadcast_in_dim3A_102 = arith.constant 0.000000e+00 : f32
      %broadcast_in_dim3A_103 = vector.broadcast %broadcast_in_dim3A_102 : f32 to vector<16xf32>
      %broadcast_in_dim3A_104 = arith.constant 0.000000e+00 : f32
      %broadcast_in_dim3A_105 = vector.broadcast %broadcast_in_dim3A_104 : f32 to vector<16xf32>
      %broadcast_in_dim3A_106 = arith.constant 0.000000e+00 : f32
      %broadcast_in_dim3A_107 = vector.broadcast %broadcast_in_dim3A_106 : f32 to vector<16xf32>
      %broadcast_in_dim3A_108 = arith.constant 0.000000e+00 : f32
      %broadcast_in_dim3A_109 = vector.broadcast %broadcast_in_dim3A_108 : f32 to vector<16xf32>
      %broadcast_in_dim3A_110 = arith.constant 0.000000e+00 : f32
      %broadcast_in_dim3A_111 = vector.broadcast %broadcast_in_dim3A_110 : f32 to vector<16xf32>
      %broadcast_in_dim3A_112 = arith.constant 0.000000e+00 : f32
      %broadcast_in_dim3A_113 = vector.broadcast %broadcast_in_dim3A_112 : f32 to vector<16xf32>
      %broadcast_in_dim3A_114 = arith.constant 0.000000e+00 : f32
      %broadcast_in_dim3A_115 = vector.broadcast %broadcast_in_dim3A_114 : f32 to vector<16xf32>
      %broadcast_in_dim3A_116 = arith.constant 0.000000e+00 : f32
      %broadcast_in_dim3A_117 = vector.broadcast %broadcast_in_dim3A_116 : f32 to vector<16xf32>
      %parallel_loop3A_118 = arith.constant 0 : i32
      %parallel_loop3A_119 = arith.constant 16 : i32
      %parallel_loop3A_120 = arith.constant 1 : i32
      %parallel_loop3A_121:8 = scf.for %parallel_loop3A_156 = %parallel_loop3A_118 to %parallel_loop3A_119 step %parallel_loop3A_120 iter_args(%parallel_loop3A_157 = %broadcast_in_dim3A_103, %parallel_loop3A_158 = %broadcast_in_dim3A_105, %parallel_loop3A_159 = %broadcast_in_dim3A_107, %parallel_loop3A_160 = %broadcast_in_dim3A_109, %parallel_loop3A_161 = %broadcast_in_dim3A_111, %parallel_loop3A_162 = %broadcast_in_dim3A_113, %parallel_loop3A_163 = %broadcast_in_dim3A_115, %parallel_loop3A_164 = %broadcast_in_dim3A_117) -> (vector<16xf32>, vector<16xf32>, vector<16xf32>, vector<16xf32>, vector<16xf32>, vector<16xf32>, vector<16xf32>, vector<16xf32>)  : i32 {
        %parallel_loop3A_165 = arith.constant 128 : i32
        %parallel_loop3A_166 = arith.muli %parallel_loop3A_156, %parallel_loop3A_165 : i32
        %parallel_loop3A_167 = arith.constant 0 : i32
        %parallel_loop3A_168 = arith.addi %parallel_loop3A_166, %parallel_loop3A_167 : i32
        %parallel_loop3A_169 = arith.index_cast %parallel_loop3A_168 : i32 to index
        %parallel_loop3A_170 = tpu.vector_load %arg7[%parallel_loop3A_169] {strides = array<i32>} : memref<2048xf32, #tpu.memory_space<vmem>>, vector<16xf32>,
        %parallel_loop3A_171 = vector.shape_cast %parallel_loop3A_170 : vector<16xf32> to vector<16xf32>
        %parallel_loop3A_172 = arith.addf %parallel_loop3A_157, %parallel_loop3A_171 : vector<16xf32>
        %parallel_loop3A_173 = arith.constant 128 : i32
        %parallel_loop3A_174 = arith.muli %parallel_loop3A_156, %parallel_loop3A_173 : i32
        %parallel_loop3A_175 = arith.constant 16 : i32
        %parallel_loop3A_176 = arith.addi %parallel_loop3A_174, %parallel_loop3A_175 : i32
        %parallel_loop3A_177 = arith.index_cast %parallel_loop3A_176 : i32 to index
        %parallel_loop3A_178 = tpu.vector_load %arg7[%parallel_loop3A_177] {strides = array<i32>} : memref<2048xf32, #tpu.memory_space<vmem>>, vector<16xf32>,
        %parallel_loop3A_179 = vector.shape_cast %parallel_loop3A_178 : vector<16xf32> to vector<16xf32>
        %parallel_loop3A_180 = arith.addf %parallel_loop3A_158, %parallel_loop3A_179 : vector<16xf32>
        %parallel_loop3A_181 = arith.constant 128 : i32
        %parallel_loop3A_182 = arith.muli %parallel_loop3A_156, %parallel_loop3A_181 : i32
        %parallel_loop3A_183 = arith.constant 32 : i32
        %parallel_loop3A_184 = arith.addi %parallel_loop3A_182, %parallel_loop3A_183 : i32
        %parallel_loop3A_185 = arith.index_cast %parallel_loop3A_184 : i32 to index
        %parallel_loop3A_186 = tpu.vector_load %arg7[%parallel_loop3A_185] {strides = array<i32>} : memref<2048xf32, #tpu.memory_space<vmem>>, vector<16xf32>,
        %parallel_loop3A_187 = vector.shape_cast %parallel_loop3A_186 : vector<16xf32> to vector<16xf32>
        %parallel_loop3A_188 = arith.addf %parallel_loop3A_159, %parallel_loop3A_187 : vector<16xf32>
        %parallel_loop3A_189 = arith.constant 128 : i32
        %parallel_loop3A_190 = arith.muli %parallel_loop3A_156, %parallel_loop3A_189 : i32
        %parallel_loop3A_191 = arith.constant 48 : i32
        %parallel_loop3A_192 = arith.addi %parallel_loop3A_190, %parallel_loop3A_191 : i32
        %parallel_loop3A_193 = arith.index_cast %parallel_loop3A_192 : i32 to index
        %parallel_loop3A_194 = tpu.vector_load %arg7[%parallel_loop3A_193] {strides = array<i32>} : memref<2048xf32, #tpu.memory_space<vmem>>, vector<16xf32>,
        %parallel_loop3A_195 = vector.shape_cast %parallel_loop3A_194 : vector<16xf32> to vector<16xf32>
        %parallel_loop3A_196 = arith.addf %parallel_loop3A_160, %parallel_loop3A_195 : vector<16xf32>
        %parallel_loop3A_197 = arith.constant 128 : i32
        %parallel_loop3A_198 = arith.muli %parallel_loop3A_156, %parallel_loop3A_197 : i32
        %parallel_loop3A_199 = arith.constant 64 : i32
        %parallel_loop3A_200 = arith.addi %parallel_loop3A_198, %parallel_loop3A_199 : i32
        %parallel_loop3A_201 = arith.index_cast %parallel_loop3A_200 : i32 to index
        %parallel_loop3A_202 = tpu.vector_load %arg7[%parallel_loop3A_201] {strides = array<i32>} : memref<2048xf32, #tpu.memory_space<vmem>>, vector<16xf32>,
        %parallel_loop3A_203 = vector.shape_cast %parallel_loop3A_202 : vector<16xf32> to vector<16xf32>
        %parallel_loop3A_204 = arith.addf %parallel_loop3A_161, %parallel_loop3A_203 : vector<16xf32>
        %parallel_loop3A_205 = arith.constant 128 : i32
        %parallel_loop3A_206 = arith.muli %parallel_loop3A_156, %parallel_loop3A_205 : i32
        %parallel_loop3A_207 = arith.constant 80 : i32
        %parallel_loop3A_208 = arith.addi %parallel_loop3A_206, %parallel_loop3A_207 : i32
        %parallel_loop3A_209 = arith.index_cast %parallel_loop3A_208 : i32 to index
        %parallel_loop3A_210 = tpu.vector_load %arg7[%parallel_loop3A_209] {strides = array<i32>} : memref<2048xf32, #tpu.memory_space<vmem>>, vector<16xf32>,
        %parallel_loop3A_211 = vector.shape_cast %parallel_loop3A_210 : vector<16xf32> to vector<16xf32>
        %parallel_loop3A_212 = arith.addf %parallel_loop3A_162, %parallel_loop3A_211 : vector<16xf32>
        %parallel_loop3A_213 = arith.constant 128 : i32
        %parallel_loop3A_214 = arith.muli %parallel_loop3A_156, %parallel_loop3A_213 : i32
        %parallel_loop3A_215 = arith.constant 96 : i32
        %parallel_loop3A_216 = arith.addi %parallel_loop3A_214, %parallel_loop3A_215 : i32
        %parallel_loop3A_217 = arith.index_cast %parallel_loop3A_216 : i32 to index
        %parallel_loop3A_218 = tpu.vector_load %arg7[%parallel_loop3A_217] {strides = array<i32>} : memref<2048xf32, #tpu.memory_space<vmem>>, vector<16xf32>,
        %parallel_loop3A_219 = vector.shape_cast %parallel_loop3A_218 : vector<16xf32> to vector<16xf32>
        %parallel_loop3A_220 = arith.addf %parallel_loop3A_163, %parallel_loop3A_219 : vector<16xf32>
        %parallel_loop3A_221 = arith.constant 128 : i32
        %parallel_loop3A_222 = arith.muli %parallel_loop3A_156, %parallel_loop3A_221 : i32
        %parallel_loop3A_223 = arith.constant 112 : i32
        %parallel_loop3A_224 = arith.addi %parallel_loop3A_222, %parallel_loop3A_223 : i32
        %parallel_loop3A_225 = arith.index_cast %parallel_loop3A_224 : i32 to index
        %parallel_loop3A_226 = tpu.vector_load %arg7[%parallel_loop3A_225] {strides = array<i32>} : memref<2048xf32, #tpu.memory_space<vmem>>, vector<16xf32>,
        %parallel_loop3A_227 = vector.shape_cast %parallel_loop3A_226 : vector<16xf32> to vector<16xf32>
        %parallel_loop3A_228 = arith.addf %parallel_loop3A_164, %parallel_loop3A_227 : vector<16xf32>
        scf.yield %parallel_loop3A_172, %parallel_loop3A_180, %parallel_loop3A_188, %parallel_loop3A_196, %parallel_loop3A_204, %parallel_loop3A_212, %parallel_loop3A_220, %parallel_loop3A_228 : vector<16xf32>, vector<16xf32>, vector<16xf32>, vector<16xf32>, vector<16xf32>, vector<16xf32>, vector<16xf32>, vector<16xf32>
      } {sc.loop_unroll_factor = 8 : i64, sc.parallel_access}
      %swap3A_122 = arith.constant 0 : index
      %swap3A_123 = tpu.vector_load %arg6[%swap3A_122] {strides = array<i32>} : memref<128xf32, #tpu.memory_space<vmem>>, vector<16xf32>,
      %swap3A_124 = vector.shape_cast %swap3A_123 : vector<16xf32> to vector<16xf32>
      %swap3A_125 = vector.shape_cast %parallel_loop3A_121#0 : vector<16xf32> to vector<16xf32>
      tpu.vector_store %arg6[%swap3A_122], %swap3A_125 {strides = array<i32>} : memref<128xf32, #tpu.memory_space<vmem>>, vector<16xf32>,
      %swap3A_126 = arith.constant 16 : index
      %swap3A_127 = tpu.vector_load %arg6[%swap3A_126] {strides = array<i32>} : memref<128xf32, #tpu.memory_space<vmem>>, vector<16xf32>,
      %swap3A_128 = vector.shape_cast %swap3A_127 : vector<16xf32> to vector<16xf32>
      %swap3A_129 = vector.shape_cast %parallel_loop3A_121#1 : vector<16xf32> to vector<16xf32>
      tpu.vector_store %arg6[%swap3A_126], %swap3A_129 {strides = array<i32>} : memref<128xf32, #tpu.memory_space<vmem>>, vector<16xf32>,
      %swap3A_130 = arith.constant 32 : index
      %swap3A_131 = tpu.vector_load %arg6[%swap3A_130] {strides = array<i32>} : memref<128xf32, #tpu.memory_space<vmem>>, vector<16xf32>,
      %swap3A_132 = vector.shape_cast %swap3A_131 : vector<16xf32> to vector<16xf32>
      %swap3A_133 = vector.shape_cast %parallel_loop3A_121#2 : vector<16xf32> to vector<16xf32>
      tpu.vector_store %arg6[%swap3A_130], %swap3A_133 {strides = array<i32>} : memref<128xf32, #tpu.memory_space<vmem>>, vector<16xf32>,
      %swap3A_134 = arith.constant 48 : index
      %swap3A_135 = tpu.vector_load %arg6[%swap3A_134] {strides = array<i32>} : memref<128xf32, #tpu.memory_space<vmem>>, vector<16xf32>,
      %swap3A_136 = vector.shape_cast %swap3A_135 : vector<16xf32> to vector<16xf32>
      %swap3A_137 = vector.shape_cast %parallel_loop3A_121#3 : vector<16xf32> to vector<16xf32>
      tpu.vector_store %arg6[%swap3A_134], %swap3A_137 {strides = array<i32>} : memref<128xf32, #tpu.memory_space<vmem>>, vector<16xf32>,
      %swap3A_138 = arith.constant 64 : index
      %swap3A_139 = tpu.vector_load %arg6[%swap3A_138] {strides = array<i32>} : memref<128xf32, #tpu.memory_space<vmem>>, vector<16xf32>,
      %swap3A_140 = vector.shape_cast %swap3A_139 : vector<16xf32> to vector<16xf32>
      %swap3A_141 = vector.shape_cast %parallel_loop3A_121#4 : vector<16xf32> to vector<16xf32>
      tpu.vector_store %arg6[%swap3A_138], %swap3A_141 {strides = array<i32>} : memref<128xf32, #tpu.memory_space<vmem>>, vector<16xf32>,
      %swap3A_142 = arith.constant 80 : index
      %swap3A_143 = tpu.vector_load %arg6[%swap3A_142] {strides = array<i32>} : memref<128xf32, #tpu.memory_space<vmem>>, vector<16xf32>,
      %swap3A_144 = vector.shape_cast %swap3A_143 : vector<16xf32> to vector<16xf32>
      %swap3A_145 = vector.shape_cast %parallel_loop3A_121#5 : vector<16xf32> to vector<16xf32>
      tpu.vector_store %arg6[%swap3A_142], %swap3A_145 {strides = array<i32>} : memref<128xf32, #tpu.memory_space<vmem>>, vector<16xf32>,
      %swap3A_146 = arith.constant 96 : index
      %swap3A_147 = tpu.vector_load %arg6[%swap3A_146] {strides = array<i32>} : memref<128xf32, #tpu.memory_space<vmem>>, vector<16xf32>,
      %swap3A_148 = vector.shape_cast %swap3A_147 : vector<16xf32> to vector<16xf32>
      %swap3A_149 = vector.shape_cast %parallel_loop3A_121#6 : vector<16xf32> to vector<16xf32>
      tpu.vector_store %arg6[%swap3A_146], %swap3A_149 {strides = array<i32>} : memref<128xf32, #tpu.memory_space<vmem>>, vector<16xf32>,
      %swap3A_150 = arith.constant 112 : index
      %swap3A_151 = tpu.vector_load %arg6[%swap3A_150] {strides = array<i32>} : memref<128xf32, #tpu.memory_space<vmem>>, vector<16xf32>,
      %swap3A_152 = vector.shape_cast %swap3A_151 : vector<16xf32> to vector<16xf32>
      %swap3A_153 = vector.shape_cast %parallel_loop3A_121#7 : vector<16xf32> to vector<16xf32>
      tpu.vector_store %arg6[%swap3A_150], %swap3A_153 {strides = array<i32>} : memref<128xf32, #tpu.memory_space<vmem>>, vector<16xf32>,
      %mul3A_154 = arith.constant 128 : i32
      %mul3A_155 = arith.muli %arg0, %mul3A_154 : i32
      "tpu.region"() ({
        %run_scoped3A = tpu.sem_alloc : memref<!tpu.dma_semaphore, #tpu.memory_space<semaphore_mem>>
        %dma_start3A_156 = tpu.memref_slice %arg3[%mul3A_155] : memref<256xf32, #tpu.memory_space<hbm>> -> memref<128xf32, #tpu.memory_space<hbm>>
        %dma_start3A_157 = tpu.memref_slice %arg3[%mul3A_155] : memref<256xf32, #tpu.memory_space<hbm>> -> memref<128xf32, #tpu.memory_space<hbm>>
        tpu.enqueue_dma source(%arg6 : memref<128xf32, #tpu.memory_space<vmem>>) target(%dma_start3A_157 : memref<128xf32, #tpu.memory_space<hbm>>) target_semaphore(%run_scoped3A : memref<!tpu.dma_semaphore, #tpu.memory_space<semaphore_mem>>)
        %dma_wait3A_158 = tpu.memref_slice %arg3[%mul3A_155] : memref<256xf32, #tpu.memory_space<hbm>> -> memref<128xf32, #tpu.memory_space<hbm>>
        %dma_wait3A_159 = tpu.memref_slice %arg3[%mul3A_155] : memref<256xf32, #tpu.memory_space<hbm>> -> memref<128xf32, #tpu.memory_space<hbm>>
        tpu.wait_dma2 semaphore(%run_scoped3A : memref<!tpu.dma_semaphore, #tpu.memory_space<semaphore_mem>>) src(%arg6 : memref<128xf32, #tpu.memory_space<vmem>>) dst(%dma_wait3A_159 : memref<128xf32, #tpu.memory_space<hbm>>)
        tpu.yield
      }) : () -> ()
    } else {
    }
    return
  }
}

module attributes {stable_mosaic.version = 14 : i64} {
  func.func @_tc_body(%arg0: i32, %arg1: memref<4000x128xf32, #tpu.memory_space<vmem>>, %arg2: memref<1x128xf32, #tpu.memory_space<vmem>>, %arg3: memref<1x128xf32, #tpu.memory_space<vmem>>) attributes {dimension_semantics = [#tpu.dimension_semantics<arbitrary>], iteration_bounds = array<i64: 16>, scalar_prefetch = 0 : i64, scratch_operands = 1 : i64, tpu.core_type = #tpu.core_type<tc>, window_params = [{transform_indices = @transform_0, window_bounds = array<i64: 4000, 128>}, {pipeline_mode = #tpu.pipeline_mode<synchronous>, transform_indices = @transform_1, window_bounds = array<i64: 1, 128>}]} {
    %eq3A = arith.constant 0 : i32
    %eq3A_0 = arith.cmpi eq, %arg0, %eq3A : i32
    %convert_element_type3A = arith.extui %eq3A_0 : i1 to i32
    %cond3A = arith.constant 0 : i32
    %cond3A_1 = arith.cmpi ne, %convert_element_type3A, %cond3A : i32
    scf.if %cond3A_1 {
      %broadcast_in_dim3A_16 = arith.constant 0.000000e+00 : f32
      %broadcast_in_dim3A_17 = vector.broadcast %broadcast_in_dim3A_16 : f32 to vector<1x128xf32>
      %swap3A_18 = arith.constant 0 : index
      %swap3A_19 = arith.constant 0 : index
      %swap3A_20 = vector.load %arg3[%swap3A_18, %swap3A_19] : memref<1x128xf32, #tpu.memory_space<vmem>>, vector<1x128xf32>
      tpu.vector_store %arg3[%swap3A_18, %swap3A_19], %broadcast_in_dim3A_17 {strides = array<i32>} : memref<1x128xf32, #tpu.memory_space<vmem>>, vector<1x128xf32>,
    } else {
    }
    %broadcast_in_dim3A = arith.constant 1.000000e+00 : f32
    %broadcast_in_dim3A_2 = vector.broadcast %broadcast_in_dim3A : f32 to vector<1x4000xf32>
    %get3A = arith.constant 0 : index
    %get3A_3 = arith.constant 0 : index
    %get3A_4 = vector.load %arg3[%get3A, %get3A_3] : memref<1x128xf32, #tpu.memory_space<vmem>>, vector<1x128xf32>
    %get3A_5 = arith.constant 0 : index
    %get3A_6 = arith.constant 0 : index
    %get3A_7 = vector.load %arg1[%get3A_5, %get3A_6] : memref<4000x128xf32, #tpu.memory_space<vmem>>, vector<4000x128xf32>
    %dot_general3A = arith.constant dense<0.000000e+00> : vector<1x128xf32>
    %dot_general3A_8 = tpu.matmul %broadcast_in_dim3A_2, %get3A_7, %dot_general3A {dimension_numbers = #tpu.dot_dimension_numbers<[1], [0], [0], [1], [0, 0, 1, 1], [], []>, transpose_lhs_hint = false} : vector<1x4000xf32>, vector<4000x128xf32>, vector<1x128xf32> -> vector<1x128xf32>
    %add3A = arith.addf %get3A_4, %dot_general3A_8 : vector<1x128xf32>
    %swap3A = arith.constant 0 : index
    %swap3A_9 = arith.constant 0 : index
    %swap3A_10 = vector.load %arg3[%swap3A, %swap3A_9] : memref<1x128xf32, #tpu.memory_space<vmem>>, vector<1x128xf32>
    tpu.vector_store %arg3[%swap3A, %swap3A_9], %add3A {strides = array<i32>} : memref<1x128xf32, #tpu.memory_space<vmem>>, vector<1x128xf32>,
    %eq3A_11 = arith.constant 15 : i32
    %eq3A_12 = arith.cmpi eq, %arg0, %eq3A_11 : i32
    %convert_element_type3A_13 = arith.extui %eq3A_12 : i1 to i32
    %cond3A_14 = arith.constant 0 : i32
    %cond3A_15 = arith.cmpi ne, %convert_element_type3A_13, %cond3A_14 : i32
    scf.if %cond3A_15 {
      %get3A_16 = arith.constant 0 : index
      %get3A_17 = arith.constant 0 : index
      %get3A_18 = vector.load %arg3[%get3A_16, %get3A_17] : memref<1x128xf32, #tpu.memory_space<vmem>>, vector<1x128xf32>
      %swap3A_19 = arith.constant 0 : index
      %swap3A_20 = arith.constant 0 : index
      %swap3A_21 = vector.load %arg2[%swap3A_19, %swap3A_20] : memref<1x128xf32, #tpu.memory_space<vmem>>, vector<1x128xf32>
      tpu.vector_store %arg2[%swap3A_19, %swap3A_20], %get3A_18 {strides = array<i32>} : memref<1x128xf32, #tpu.memory_space<vmem>>, vector<1x128xf32>,
    } else {
    }
    return
  }
  func.func @transform_0(%arg0: i32) -> (i32, i32) {
    %c0_i32 = arith.constant 0 : i32
    %c0_i32_0 = arith.constant 0 : i32
    return %arg0, %c0_i32 : i32, i32
  }
  func.func @transform_1(%arg0: i32) -> (i32, i32) {
    %c0_i32 = arith.constant 0 : i32
    %c0_i32_0 = arith.constant 0 : i32
    %c0_i32_1 = arith.constant 0 : i32
    return %c0_i32, %c0_i32_0 : i32, i32
  }
}

</mosaic_0001>

<sc_bundles>
// kernel: kernel.4.cloned.1.call-start
scs
__scs_entry_jumppad:
0x0: {  	(pc) =	sbr.rel $0x88, $3  }
0x1: {  	(tag) =	ssettag $0x0;
	lr =	simm.s32 $0x1  }
0x2: {  	[smem:$0x3FA0] =	sst lr;
	_ =	strace $0xD0000000  }
0x3: {  	_ = 	snop  }
0x4: {  	_ = 	snop  }
0x5: {  	_ = 	snop  }
0x6: {  	_ = 	snop  }
0x7: {  	_ = 	snop  }
__scs_overlays_trampoline_lowered:
0x8: {  	[smem:$0x3FAF] =	sst s0  }
0x9: {  	[smem:$0x3FB0] =	sst s1  }
0xa: {  	[smem:$0x3FB1] =	sst s2  }
0xb: {  	[smem:$0x3FB2] =	sst s3  }
0xc: {  	[smem:$0x3FB3] =	sst s4  }
0xd: {  	[smem:$0x3FB4] =	sst s5  }
0xe: {  	[smem:$0x3FB5] =	sst s6  }
0xf: {  	[smem:$0x3FB6] =	sst s7  }
0x10: {  	[smem:$0x3FB7] =	sst s8  }
0x11: {  	[smem:$0x3FB8] =	sst s9;
	s0 =	simm.s32 @!p0 $0x0  }
0x12: {  	s1 =	sld [smem:$0x3F9E];
	s0 =	simm.s32 @p0 $0x1  }
0x13: {  	[smem:$0x3FB9] =	sst s0;
	s0 =	simm.s32 @!p1 $0x0  }
0x14: {  	s2 =	sld [smem:$0x3F9D];
	s0 =	simm.s32 @p1 $0x1  }
0x15: {  	[smem:$0x3FBA] =	sst s0;
	s0 =	simm.s32 @!p2 $0x0  }
0x16: {  	s3 =	sld [smem:$0x3FDB];
	s0 =	simm.s32 @p2 $0x1  }
0x17: {  	s4 =	simm.s32 $0x1BF5;
	[smem:$0x3FBC] =	sst s0  }
0x18: {  	s0 =	sld [smem:$0x3F9F];
	_ =	swait.ge [sflag:s4], $0x0  }
0x19: {  	s7 =	sld [smem:$0x3FA0]  }
0x1a: {  	s8 =	sadd.s32 $0xFFFFE003, lr  }
0x1b: {  	s9 =	sadd.s32 $0xFFFFFEF7, lr;
	s5 =	simm.s32 $0xFFFFFFFF;
	p2 =	slt.u32 s8, $0xFFFFF086  }
0x1c: {  	p1 =	slt.u32 s9, $0xF7A;
	s5 =	simm.s32 @!p2 $0x0  }
0x1d: {  	s5 =	simm.s32 @p1 $0x1;
	p0 =	seq.s32 s7, s2  }
0x1e: {  	s7 =	smul.u32 @!p0 $0xF7A, s2;
	p2 =	seq.s32 @!p0 s5, $0x0  }
0x1f: {  	s9 =	smul.u32 $0xF7A, s1;
	s8 =	simm.s32 @!p0 $0x1BF5;
	p2 =	por !p2, p0  }
0x20: {  	[sflag:s8] =	ssyncset.s32 @!p0 $0xFFFFF086;
	s6 =	sadd.s32 @!p0 s3, s7;
	s7 =	simm.s32 @!p0 $0x108  }
0x21: {  	s3 =	sadd.s32 s3, s9;
	s6 =	sadd.s32 @!p0 $0x88, s6;
	s7 =	simm.s32 @p2 $0x1082  }
0x22: {  	[simem:s7], [sflag:s8] =	dma.local @!p0 [hbm:s6], $0xF7A  }
0x23: {  	s9 =	sor.u32 $0xD0000000, s2;
	s6 =	simm.s32 $0x108;
	_ =	swait.ge @!p0 [sflag:s8], $0x0  }
0x24: {  	s3 =	sadd.s32 $0x88, s3;
	s6 =	simm.s32 @!p1 $0x1082;
	[sflag:s4] =	ssyncset.s32 $0xFFFFF086  }
0x25: {  	[simem:s6], [sflag:s4] =	dma.local [hbm:s3], $0xF7A  }
0x26: {  	[smem:$0x3FA0] =	sst s1;
	(tag) =	ssettag s2;
	_ =	strace s9  }
0x27: {  	s1 =	sld [smem:$0x3FB0]  }
0x28: {  	s2 =	sld [smem:$0x3FB1]  }
0x29: {  	s4 =	sld [smem:$0x3FB3]  }
0x2a: {  	p0 =	seq.s32 s5, $0x0;
	s5 =	sld [smem:$0x3FB4]  }
0x2b: {  	s6 =	sld [smem:$0x3FB5]  }
0x2c: {  	s7 =	sld [smem:$0x3FB6]  }
0x2d: {  	s3 =	simm.s32 $0x108;
	s8 =	sld [smem:$0x3FB7]  }
0x2e: {  	s3 =	simm.s32 @!p0 $0x1082;
	s9 =	sld [smem:$0x3FB8]  }
0x2f: {  	lr =	sadd.s32 s0, s3;
	s0 =	sld [smem:$0x3FAF]  }
0x30: {  	s3 =	sld [smem:$0x3FB2]  }
0x31: {  	[smem:$0x3FBB] =	sst s10  }
0x32: {  	s10 =	sld [smem:$0x3FB9];
	_ =	sdelay $0x3  }
0x33: {  	p0 =	seq.s32 s10, $0x1;
	s10 =	sld [smem:$0x3FBB];
	_ =	sdelay $0x3  }
0x34: {  	[smem:$0x3FBB] =	sst s10  }
0x35: {  	s10 =	sld [smem:$0x3FBA];
	_ =	sdelay $0x3  }
0x36: {  	p1 =	seq.s32 s10, $0x1;
	s10 =	sld [smem:$0x3FBB];
	_ =	sdelay $0x3  }
0x37: {  	[smem:$0x3FBB] =	sst s10  }
0x38: {  	s10 =	sld [smem:$0x3FBC]  }
0x39: {  	_ = 	snop;
	(pc) =	sbr.ind lr, $3  }
0x3a: {  	_ = 	snop  }
0x3b: {  	_ = 	snop  }
0x3c: {  	p2 =	seq.s32 s10, $0x1;
	s10 =	sld [smem:$0x3FBB]  }
0x3d: {  	_ =	shalt  }
0x3e: {  	_ =	shalt  }
0x3f: {  	_ =	shalt  }
0x40: {  	_ =	shalt  }
0x41: {  	_ =	shalt  }
0x42: {  	_ =	shalt  }
0x43: {  	_ =	shalt  }
0x44: {  	_ =	shalt  }
0x45: {  	_ =	shalt  }
0x46: {  	_ =	shalt  }
0x47: {  	_ =	shalt  }
0x48: {  	_ =	shalt  }
0x49: {  	_ =	shalt  }
0x4a: {  	_ =	shalt  }
0x4b: {  	_ =	shalt  }
0x4c: {  	_ =	shalt  }
0x4d: {  	_ =	shalt  }
0x4e: {  	_ =	shalt  }
0x4f: {  	_ =	shalt  }
0x50: {  	_ =	shalt  }
0x51: {  	_ =	shalt  }
0x52: {  	_ =	shalt  }
0x53: {  	_ =	shalt  }
0x54: {  	_ =	shalt  }
0x55: {  	_ =	shalt  }
0x56: {  	_ =	shalt  }
0x57: {  	_ =	shalt  }
0x58: {  	_ =	shalt  }
0x59: {  	_ =	shalt  }
0x5a: {  	_ =	shalt  }
0x5b: {  	_ =	shalt  }
0x5c: {  	_ =	shalt  }
0x5d: {  	_ =	shalt  }
0x5e: {  	_ =	shalt  }
0x5f: {  	_ =	shalt  }
0x60: {  	_ =	shalt  }
0x61: {  	_ =	shalt  }
0x62: {  	_ =	shalt  }
0x63: {  	_ =	shalt  }
0x64: {  	_ =	shalt  }
0x65: {  	_ =	shalt  }
0x66: {  	_ =	shalt  }
0x67: {  	_ =	shalt  }
0x68: {  	_ =	shalt  }
0x69: {  	_ =	shalt  }
0x6a: {  	_ =	shalt  }
0x6b: {  	_ =	shalt  }
0x6c: {  	_ =	shalt  }
0x6d: {  	_ =	shalt  }
0x6e: {  	_ =	shalt  }
0x6f: {  	_ =	shalt  }
0x70: {  	_ =	shalt  }
0x71: {  	_ =	shalt  }
0x72: {  	_ =	shalt  }
0x73: {  	_ =	shalt  }
0x74: {  	_ =	shalt  }
0x75: {  	_ =	shalt  }
0x76: {  	_ =	shalt  }
0x77: {  	_ =	shalt  }
0x78: {  	_ =	shalt  }
0x79: {  	_ =	shalt  }
0x7a: {  	_ =	shalt  }
0x7b: {  	_ =	shalt  }
0x7c: {  	_ =	shalt  }
0x7d: {  	_ =	shalt  }
0x7e: {  	_ =	shalt  }
0x7f: {  	_ =	shalt  }
0x80: {  	_ =	shalt  }
0x81: {  	_ =	shalt  }
0x82: {  	_ =	shalt  }
0x83: {  	_ =	shalt  }
0x84: {  	_ =	shalt  }
0x85: {  	_ =	shalt  }
0x86: {  	_ =	shalt  }
0x87: {  	_ =	shalt  }
.Lfunc_end0:
.L_simem_size_0:
called_computation_lowered:
.L_overlay_start_0:
0x88: {  	s2 =	sld [smem:$0x3FD9]  }
0x89: {  	s3 =	sld [smem:$0x3FFE];
	_ =	sdelay $0x1  }
0x8a: {  	s1 =	srdreg.scid  }
0x8b: {  	s0 =	sand.u32 $0x1, s1  }
0x8c: {  	s17 =	sshll.u32 s0, $0xA;
	s2 =	sadd.s32 s3, s2  }
0x8d: {  	s2 =	sadd.s32 s2, s17  }
0x8e: {  	[smem:$0x3FC7] =	sst s2  }
0x8f: {  	_ = 	snop  }
0x90: {  	s2 =	sld [smem:$0x3FC9];
	(tm) =	ssettm $0x1  }
0x91: {  	s18 =	sld [smem:$0x3FFB];
	_ =	sdelay $0x3  }
0x92: {  	_ =	strace s18  }
0x93: {  	s3 =	sld [smem:$0x3FFC];
	_ =	sdelay $0x3  }
0x94: {  	_ =	strace s3  }
0x95: {  	s3 =	sld [smem:$0x3FFD];
	_ =	sdelay $0x3  }
0x96: {  	_ =	strace s3  }
0x97: {  	_ =	strace $0x8FFFFFFF  }
0x98: {  	s19 =	sld [smem:$0x3FDB];
	_ =	sdelay $0x1  }
0x99: {  	s4 =	simm.s32 $_scs_section_size  }
0x9a: {  	s5 =	simm.s32 $_size__tile_overlayer_lowered;
	s6 =	simm.s32 $_tile_overlayer_lowered  }
0x9b: {  	s22 =	simm.s32 $0x1BFF;
	s21 =	sshll.u32 s6, $0x1;
	s3 =	sadd.s32 s4, s19  }
0x9c: {  	s7 =	simm.s32 $0x0;
	s20 =	sshll.u32 s5, $0x1;
	s5 =	sadd.s32 s21, s3  }
0x9d: {  	[timem:s7], [sflag:s22] =	dma.local [hbm:s5], s20  }
0x9e: {  	_ =	swait.ge [sflag:s22], s20  }
0x9f: {  	s4 =	ssub.s32 $0x0, s20;
	[sflag:s22] =	ssyncset.done $0x0  }
0xa0: {  	[sflag:s22] =	ssyncadd.s32 s4;
	_ =	sdelay $0x1  }
0xa1: {  	s23 =	simm.s32 $0x1B8B  }
0xa2: {  	_ =	swait.ge [sflag:s23], $0x1  }
0xa3: {  	[sflag:s23] =	ssyncset.done $0x0  }
0xa4: {  	s25 =	simm.s32 $0x1B8E;
	s24 =	sld [smem:$0x3FFE];
	[sflag:s23] =	ssyncadd.s32 $0xFFFFFFFF  }
0xa5: {  	s26 =	simm.s32 $execute0_lowered;
	[smem:$0x3FD2] =	sst s25  }
0xa6: {  	s5 =	sshll.u32 s26, $0x1;
	_ =	strace $0x80000046;
	[dreg:$0x1] =	wrdreg $0xFFFFFFFF  }
0xa7: {  	s28 =	simm.s32 $_size_execute0_lowered;
	s3 =	sadd.s32 s3, s5;
	[dreg:$0x0] =	wrdreg $0x0  }
0xa8: {  	s5 =	sshll.u32 s28, $0x1;
	[dreg:$0x2] =	wrdreg s3  }
0xa9: {  	[dreg:$0x3] =	wrdreg s5  }
0xaa: {  	[dreg:$0x4] =	wrdreg $0xC0  }
0xab: {  	_ =	task [dreg:s7], $0x5FFFF  }
0xac: {  	[dreg:$0x1] =	wrdreg $0xFFFFFFFF  }
0xad: {  	[dreg:$0x0] =	wrdreg $0x60  }
0xae: {  	[dreg:$0x2] =	wrdreg s2  }
0xaf: {  	[dreg:$0x3] =	wrdreg s24  }
0xb0: {  	[dreg:$0x4] =	wrdreg $0xE9800  }
0xb1: {  	[dreg:$0x5] =	wrdreg $0x9  }
0xb2: {  	_ =	task.clear_ibuf [dreg:s7], $0x6FFFF;
	_ =	strace $0x90000046  }
0xb3: {  	s29 =	simm.s32 $0x9;
	_ =	strace $0x80000048  }
0xb4: {  	_ =	swait.ge [sflag:s29], $0x1  }
0xb5: {  	[sflag:s29] =	ssyncadd.s32 $0xFFFFFFFF  }
0xb6: {  	_ =	strace $0x90000048  }
0xb7: {  	_ =	sfence  }
0xb8: {  	s30 =	sld [smem:$0x0];
	_ =	sdelay $0x2  }
0xb9: {  	s31 =	sshll.u32 s1, $0xD;
	s1 =	sshrl.u32 s1, $0x2  }
0xba: {  	s3 =	sand.u32 $0x4000, s31;
	s1 =	sadd.s32 s1, s30  }
0xbb: {  	s0 =	sor.u32 s3, s0;
	s1 =	sshll.u32 s1, $0x11  }
0xbc: {  	s0 =	sor.u32 s1, s0  }
0xbd: {  	s0 =	sadd.s32 $0x8F2B, s0  }
0xbe: {  	[sflag:s0] =	ssyncadd.remote.s32 $0x1  }
0xbf: {  	_ =	sfence.sel $0xFFFF  }
0xc0: {  	[dreg:$0x0] =	wrdreg $0xFFFFFFFF;
	(pc) =	sbr.abs _section_cstart, $3  }
0xc1: {  	[dreg:$0x1] =	wrdreg $0xFFFFFFFF  }
0xc2: {  	_ =	task.clear_ibuf [dreg:s7], $0x2FFFF;
	_ =	strace $0x9FFFFFFF  }
0xc3: {  	(tm) =	ssettm $0x7FFFFFFF  }
tec
execute0_lowered:
.L_overlay_start_1:
0x0: {  	(tag) =	ssettag $0x1  }
0x1: {  	s0 =	srdreg.scid;
	s3 =	rddreg [dreg:$0x0]  }
0x2: {  	s14 =	stileid.u32;
	s9 =	rddreg [dreg:$0x1]  }
0x3: {  	s1 =	rddreg [dreg:$0x2];
	s2 =	simm.s32 $0x0;
	s13 =	simm.s32 $0x2  }
0x4: {  	s15 =	simm.s32 $0x3;
	s16 =	simm.s32 $0xE180;
	s17 =	simm.s32 $0x0  }
0x5: {  	s7 =	sand.u32 $0x1, s0;
	s31 =	sshll.u32 s14, $0x1;
	[smem:$0x7FF] =	sst s2  }
0x6: {  	s11 =	sshll.u32 s14, $0x7;
	p0 =	sne.s32 s14, $0x0;
	s0 =	sor.u32 s7, s31  }
0x7: {  	s14 =	simm.s32 $0xE100;
	s5 =	ssub.s32 $0x2, s7;
	s4 =	smul.u32 $0x23280, s0  }
0x8: {  	s12 =	sshll.u32 s7, $0x4;
	s0 =	rddreg [dreg:$0x3];
	s6 =	sshrl.u32 s5, $0x1  }
.Ltmp0:
0x9: {  	_ =	strace $0x80000047;
	s4 =	sshrl.u32 s4, $0x3;
	(pc) =	sbr.rel .LBB2_1-.Ltmp0, $4  }
0xa: {  	s9 =	sadd.s32 s9, s12;
	s10 =	ssub.s32 s5, s6;
	s8 =	sadd.s32 s3, s4  }
0xb: {  	s12 =	simm.s32 $0x1;
	s10 =	smax.u32 s10, $0x1;
	s3 =	sadd.s32 $0xFA000, s8  }
0xc: {  	s4 =	sadd.s32 $0xFAE10, s8;
	s5 =	sadd.s32 $0xFBC20, s8;
	s6 =	sadd.s32 $0xFCA30, s8  }
0xd: {  	s7 =	sadd.s32 $0xFD840, s8;
	s8 =	sadd.s32 s11, s1;
	s11 =	simm.s32 $0x7080  }
.LBB2_14:
0xe: {  	v14 =	vld [tilespmem:s18+$0xE180]  }
0xf: {  	v15 =	vld [tilespmem:s18+$0xE190]  }
0x10: {  	v16 =	vld [tilespmem:s18+$0xE1A0]  }
0x11: {  	v17 =	vld [tilespmem:s18+$0xE1B0]  }
0x12: {  	v18 =	vld [tilespmem:s18+$0xE1C0]  }
0x13: {  	v1 =	vadd.f32 v11, v1;
	v59 =	vld [tilespmem:s18+$0xE1D0];
	v5 =	vadd.f32 v14, v5  }
0x14: {  	v6 =	vadd.f32 v10, v6;
	v60 =	vld [tilespmem:s18+$0xE1E0];
	v3 =	vadd.f32 v15, v3  }
0x15: {  	v13 =	vld [tilespmem:s18+$0xE1F0];
	v7 =	vadd.f32 v7, v8;
	v1 =	vadd.f32 v16, v1;
	[tilespmem:$0xE100] =	vst v5  }
0x16: {  	v4 =	vadd.f32 v9, v4;
	v61 =	vadd.f32 v17, v6;
	[tilespmem:$0xE110] =	vst v3  }
0x17: {  	v2 =	vadd.f32 v12, v2;
	v62 =	vadd.f32 v18, v7;
	[tilespmem:$0xE120] =	vst v1  }
0x18: {  	v63 =	vadd.f32 v59, v4;
	[tilespmem:$0xE130] =	vst v61  }
0x19: {  	v2 =	vadd.f32 v60, v2;
	[tilespmem:$0xE140] =	vst v62  }
0x1a: {  	v0 =	vadd.f32 v13, v0;
	[tilespmem:$0xE150] =	vst v63  }
0x1b: {  	[tilespmem:$0xE160] =	vst v2  }
0x1c: {  	[tilespmem:$0xE170] =	vst v0  }
0x1d: {  	[hbm4b:s9+s2] =	stream.linear.scatter [tilespmem:s14], [sflag:$0x3], $0x80, $0x38;
	[tilespmem:$0xEA00] =	vst v63  }
0x1e: {  	_ =	swait.ge [sflag:s15], $0x80  }
0x1f: {  	[sflag:s15] =	ssyncset.done $0x0  }
0x20: {  	[sflag:s15] =	ssyncadd.s32 $0xFFFFFF80  }
.LBB2_15:
0x21: {  	s17 =	sadd.s32 $0x1, s17  }
0x22: {  	p1 =	sne.s32 s17, s10  }
.Ltmp1:
0x23: {  	_ = 	snop;
	(pc) =	sbr.rel @!p1 .LBB2_16-.Ltmp1, $1  }
0x24: {  	_ =	sdelay $0x3  }
.LBB2_1:
0x25: {  	[tilespmem:s2], [sflag:$0x1] =	stream.linear.gather [hbm4b:s3+s2], $0x7080, $0x38;
	[tilespmem:$0xEA00] =	vst v63  }
0x26: {  	_ = 	snop  }
0x27: {  	[tilespmem:s11], [sflag:$0x2] =	stream.linear.gather [hbm4b:s4+s2], $0x7080, $0x38;
	[tilespmem:$0xEA00] =	vst v63  }
0x28: {  	_ =	swait.ge [sflag:s12], $0x7080  }
0x29: {  	[sflag:s12] =	ssyncset.done $0x0  }
0x2a: {  	s20 =	simm.s32 $0x0;
	[sflag:s12] =	ssyncadd.s32 $0xFFFF8F80  }
0x2b: {  	v0 =	vld [tilespmem:s20+$0x70]  }
0x2c: {  	v2 =	vld [tilespmem:s20+$0x0]  }
0x2d: {  	v4 =	vld [tilespmem:s20+$0x10]  }
0x2e: {  	v5 =	vld [tilespmem:s20+$0x20]  }
0x2f: {  	v8 =	vld [tilespmem:s20+$0x30]  }
0x30: {  	v3 =	vimm.f32 $0.0e+00;
	v9 =	vimm.f32 $0.0e+00;
	v6 =	vld [tilespmem:s20+$0x40]  }
0x31: {  	v10 =	vimm.f32 $0.0e+00;
	v7 =	vimm.f32 $0.0e+00;
	v11 =	vld [tilespmem:s20+$0x50];
	v1 =	vadd.f32 v0, v3  }
0x32: {  	s18 =	simm.s32 $0x80;
	s19 =	simm.s32 $0x400;
	v12 =	vld [tilespmem:s20+$0x60];
	v0 =	vadd.f32 v2, v3;
	v2 =	vadd.f32 v4, v3;
	v4 =	vimm.f32 $0.0e+00  }
.LBB2_2:
0x33: {  	p1 =	sne.s32 s19, $0x1C000;
	v13 =	vld [tilespmem:s18+$0x70];
	v3 =	vadd.f32 v5, v3  }
0x34: {  	v14 =	vld [tilespmem:s18+$0x0];
	v4 =	vadd.f32 v8, v4  }
0x35: {  	v15 =	vld [tilespmem:s18+$0x10];
	v9 =	vadd.f32 v6, v9  }
.Ltmp2:
0x36: {  	v5 =	vld [tilespmem:s18+$0x20];
	v10 =	vadd.f32 v11, v10;
	(pc) =	sbr.rel @p1 .LBB2_2-.Ltmp2, $4  }
0x37: {  	v8 =	vld [tilespmem:s18+$0x30];
	v7 =	vadd.f32 v12, v7  }
0x38: {  	v6 =	vld [tilespmem:s18+$0x40];
	v1 =	vadd.f32 v13, v1  }
0x39: {  	v0 =	vadd.f32 v14, v0;
	v11 =	vld [tilespmem:s18+$0x50]  }
0x3a: {  	v2 =	vadd.f32 v15, v2;
	v12 =	vld [tilespmem:s18+$0x60];
	s18 =	sshra.s32 s19, $0x2;
	s19 =	sadd.s32 $0x200, s19  }
0x3b: {  	v13 =	vld [tilespmem:s18+$0x70]  }
0x3c: {  	v14 =	vld [tilespmem:s18+$0x0]  }
0x3d: {  	v15 =	vld [tilespmem:s18+$0x10]  }
0x3e: {  	v16 =	vld [tilespmem:s18+$0x20]  }
0x3f: {  	v17 =	vld [tilespmem:s18+$0x30]  }
0x40: {  	v18 =	vld [tilespmem:s18+$0x40]  }
0x41: {  	v19 =	vld [tilespmem:s18+$0x50];
	s31 =	simm.s32 $0x0  }
0x42: {  	v20 =	vld [tilespmem:s18+$0x60];
	[tilespmem:s31], [sflag:$0x1] =	stream.linear.gather [hbm4b:s5+s31], $0x7080, $0x38  }
0x43: {  	_ =	swait.ge [sflag:s13], $0x7080  }
0x44: {  	[sflag:s13] =	ssyncset.done $0x0  }
0x45: {  	s20 =	simm.s32 $0x0;
	[sflag:s13] =	ssyncadd.s32 $0xFFFF8F80  }
0x46: {  	v3 =	vadd.f32 v5, v3;
	v4 =	vadd.f32 v8, v4;
	v5 =	vld [tilespmem:s20+$0x70F0]  }
0x47: {  	v6 =	vadd.f32 v6, v9;
	v10 =	vadd.f32 v11, v10;
	v21 =	vld [tilespmem:s20+$0x7080]  }
0x48: {  	v7 =	vadd.f32 v12, v7;
	v11 =	vadd.f32 v13, v1;
	v12 =	vld [tilespmem:s20+$0x7090]  }
0x49: {  	v13 =	vadd.f32 v14, v0;
	v14 =	vadd.f32 v15, v2;
	v8 =	vld [tilespmem:s20+$0x70A0]  }
0x4a: {  	v0 =	vadd.f32 v16, v3;
	v1 =	vadd.f32 v17, v4;
	v9 =	vld [tilespmem:s20+$0x70B0]  }
0x4b: {  	v2 =	vadd.f32 v18, v6;
	v3 =	vadd.f32 v19, v10;
	v10 =	vld [tilespmem:s20+$0x70C0]  }
0x4c: {  	v4 =	vadd.f32 v20, v7;
	v5 =	vadd.f32 v5, v11;
	v11 =	vld [tilespmem:s20+$0x70D0]  }
0x4d: {  	s18 =	simm.s32 $0x80;
	s19 =	simm.s32 $0x400;
	v6 =	vadd.f32 v21, v13;
	v7 =	vadd.f32 v12, v14;
	v12 =	vld [tilespmem:s20+$0x70E0]  }
.LBB2_4:
0x4e: {  	p1 =	sne.s32 s19, $0x1C000;
	v13 =	vld [tilespmem:s18+$0x70F0];
	v0 =	vadd.f32 v8, v0  }
0x4f: {  	v14 =	vld [tilespmem:s18+$0x7080];
	v1 =	vadd.f32 v9, v1  }
0x50: {  	v15 =	vld [tilespmem:s18+$0x7090];
	v2 =	vadd.f32 v10, v2  }
.Ltmp3:
0x51: {  	v8 =	vld [tilespmem:s18+$0x70A0];
	v3 =	vadd.f32 v11, v3;
	(pc) =	sbr.rel @p1 .LBB2_4-.Ltmp3, $4  }
0x52: {  	v9 =	vld [tilespmem:s18+$0x70B0];
	v4 =	vadd.f32 v12, v4  }
0x53: {  	v10 =	vld [tilespmem:s18+$0x70C0];
	v5 =	vadd.f32 v13, v5  }
0x54: {  	v6 =	vadd.f32 v14, v6;
	v11 =	vld [tilespmem:s18+$0x70D0]  }
0x55: {  	v7 =	vadd.f32 v15, v7;
	v12 =	vld [tilespmem:s18+$0x70E0];
	s18 =	sshra.s32 s19, $0x2;
	s19 =	sadd.s32 $0x200, s19  }
0x56: {  	v13 =	vld [tilespmem:s18+$0x70F0]  }
0x57: {  	v14 =	vld [tilespmem:s18+$0x7080]  }
0x58: {  	v15 =	vld [tilespmem:s18+$0x7090]  }
0x59: {  	v16 =	vld [tilespmem:s18+$0x70A0]  }
0x5a: {  	v17 =	vld [tilespmem:s18+$0x70B0]  }
0x5b: {  	v18 =	vld [tilespmem:s18+$0x70C0]  }
0x5c: {  	v19 =	vld [tilespmem:s18+$0x70D0];
	s31 =	simm.s32 $0x0  }
0x5d: {  	v20 =	vld [tilespmem:s18+$0x70E0];
	[tilespmem:s11], [sflag:$0x2] =	stream.linear.gather [hbm4b:s6+s31], $0x7080, $0x38  }
0x5e: {  	_ =	swait.ge [sflag:s12], $0x7080  }
0x5f: {  	[sflag:s12] =	ssyncset.done $0x0  }
0x60: {  	s20 =	simm.s32 $0x0;
	[sflag:s12] =	ssyncadd.s32 $0xFFFF8F80  }
0x61: {  	v0 =	vadd.f32 v8, v0;
	v1 =	vadd.f32 v9, v1;
	v21 =	vld [tilespmem:s20+$0x70]  }
0x62: {  	v2 =	vadd.f32 v10, v2;
	v3 =	vadd.f32 v11, v3;
	v22 =	vld [tilespmem:s20+$0x0]  }
0x63: {  	v4 =	vadd.f32 v12, v4;
	v5 =	vadd.f32 v13, v5;
	v12 =	vld [tilespmem:s20+$0x10]  }
0x64: {  	v6 =	vadd.f32 v14, v6;
	v7 =	vadd.f32 v15, v7;
	v8 =	vld [tilespmem:s20+$0x20]  }
0x65: {  	v0 =	vadd.f32 v16, v0;
	v1 =	vadd.f32 v17, v1;
	v9 =	vld [tilespmem:s20+$0x30]  }
0x66: {  	v2 =	vadd.f32 v18, v2;
	v3 =	vadd.f32 v19, v3;
	v10 =	vld [tilespmem:s20+$0x40]  }
0x67: {  	v11 =	vld [tilespmem:s20+$0x50];
	v4 =	vadd.f32 v20, v4;
	v5 =	vadd.f32 v21, v5  }
0x68: {  	s18 =	simm.s32 $0x80;
	s19 =	simm.s32 $0x400;
	v6 =	vadd.f32 v22, v6;
	v7 =	vadd.f32 v12, v7;
	v12 =	vld [tilespmem:s20+$0x60]  }
.LBB2_6:
0x69: {  	p1 =	sne.s32 s19, $0x1C000;
	v13 =	vld [tilespmem:s18+$0x70];
	v0 =	vadd.f32 v8, v0  }
0x6a: {  	v14 =	vld [tilespmem:s18+$0x0];
	v1 =	vadd.f32 v9, v1  }
0x6b: {  	v15 =	vld [tilespmem:s18+$0x10];
	v2 =	vadd.f32 v10, v2  }
.Ltmp4:
0x6c: {  	v8 =	vld [tilespmem:s18+$0x20];
	v3 =	vadd.f32 v11, v3;
	(pc) =	sbr.rel @p1 .LBB2_6-.Ltmp4, $4  }
0x6d: {  	v9 =	vld [tilespmem:s18+$0x30];
	v4 =	vadd.f32 v12, v4  }
0x6e: {  	v10 =	vld [tilespmem:s18+$0x40];
	v5 =	vadd.f32 v13, v5  }
0x6f: {  	v6 =	vadd.f32 v14, v6;
	v11 =	vld [tilespmem:s18+$0x50]  }
0x70: {  	v7 =	vadd.f32 v15, v7;
	v12 =	vld [tilespmem:s18+$0x60];
	s18 =	sshra.s32 s19, $0x2;
	s19 =	sadd.s32 $0x200, s19  }
0x71: {  	v13 =	vld [tilespmem:s18+$0x70]  }
0x72: {  	v14 =	vld [tilespmem:s18+$0x0]  }
0x73: {  	v15 =	vld [tilespmem:s18+$0x10]  }
0x74: {  	v16 =	vld [tilespmem:s18+$0x20]  }
0x75: {  	v17 =	vld [tilespmem:s18+$0x30]  }
0x76: {  	v18 =	vld [tilespmem:s18+$0x40]  }
0x77: {  	v19 =	vld [tilespmem:s18+$0x50];
	s31 =	simm.s32 $0x0  }
0x78: {  	v20 =	vld [tilespmem:s18+$0x60];
	[tilespmem:s31], [sflag:$0x1] =	stream.linear.gather [hbm4b:s7+s31], $0x7080, $0x38  }
0x79: {  	_ =	swait.ge [sflag:s13], $0x7080  }
0x7a: {  	[sflag:s13] =	ssyncset.done $0x0  }
0x7b: {  	s20 =	simm.s32 $0x0;
	[sflag:s13] =	ssyncadd.s32 $0xFFFF8F80  }
0x7c: {  	v0 =	vadd.f32 v8, v0;
	v1 =	vadd.f32 v9, v1;
	v21 =	vld [tilespmem:s20+$0x70F0]  }
0x7d: {  	v2 =	vadd.f32 v10, v2;
	v3 =	vadd.f32 v11, v3;
	v22 =	vld [tilespmem:s20+$0x7080]  }
0x7e: {  	v4 =	vadd.f32 v12, v4;
	v5 =	vadd.f32 v13, v5;
	v12 =	vld [tilespmem:s20+$0x7090]  }
0x7f: {  	v6 =	vadd.f32 v14, v6;
	v7 =	vadd.f32 v15, v7;
	v8 =	vld [tilespmem:s20+$0x70A0]  }
0x80: {  	v0 =	vadd.f32 v16, v0;
	v1 =	vadd.f32 v17, v1;
	v9 =	vld [tilespmem:s20+$0x70B0]  }
0x81: {  	v2 =	vadd.f32 v18, v2;
	v3 =	vadd.f32 v19, v3;
	v10 =	vld [tilespmem:s20+$0x70C0]  }
0x82: {  	v11 =	vld [tilespmem:s20+$0x70D0];
	v4 =	vadd.f32 v20, v4;
	v5 =	vadd.f32 v21, v5  }
0x83: {  	s18 =	simm.s32 $0x80;
	s19 =	simm.s32 $0x400;
	v6 =	vadd.f32 v22, v6;
	v7 =	vadd.f32 v12, v7;
	v12 =	vld [tilespmem:s20+$0x70E0]  }
.LBB2_8:
0x84: {  	p1 =	sne.s32 s19, $0x1C000;
	v13 =	vld [tilespmem:s18+$0x70F0];
	v0 =	vadd.f32 v8, v0  }
0x85: {  	v14 =	vld [tilespmem:s18+$0x7080];
	v1 =	vadd.f32 v9, v1  }
0x86: {  	v15 =	vld [tilespmem:s18+$0x7090];
	v2 =	vadd.f32 v10, v2  }
.Ltmp5:
0x87: {  	v8 =	vld [tilespmem:s18+$0x70A0];
	v3 =	vadd.f32 v11, v3;
	(pc) =	sbr.rel @p1 .LBB2_8-.Ltmp5, $4  }
0x88: {  	v9 =	vld [tilespmem:s18+$0x70B0];
	v4 =	vadd.f32 v12, v4  }
0x89: {  	v10 =	vld [tilespmem:s18+$0x70C0];
	v5 =	vadd.f32 v13, v5  }
0x8a: {  	v6 =	vadd.f32 v14, v6;
	v11 =	vld [tilespmem:s18+$0x70D0]  }
0x8b: {  	v7 =	vadd.f32 v15, v7;
	v12 =	vld [tilespmem:s18+$0x70E0];
	s18 =	sshra.s32 s19, $0x2;
	s19 =	sadd.s32 $0x200, s19  }
0x8c: {  	v13 =	vld [tilespmem:s18+$0x70F0]  }
0x8d: {  	v14 =	vld [tilespmem:s18+$0x7080]  }
0x8e: {  	v15 =	vld [tilespmem:s18+$0x7090]  }
0x8f: {  	v16 =	vld [tilespmem:s18+$0x70A0]  }
0x90: {  	v17 =	vld [tilespmem:s18+$0x70B0]  }
0x91: {  	v18 =	vld [tilespmem:s18+$0x70C0]  }
0x92: {  	v19 =	vld [tilespmem:s18+$0x70D0]  }
0x93: {  	v20 =	vld [tilespmem:s18+$0x70E0];
	_ =	swait.ge [sflag:s12], $0x7080  }
0x94: {  	[sflag:s12] =	ssyncset.done $0x0  }
0x95: {  	s20 =	simm.s32 $0x0;
	[sflag:s12] =	ssyncadd.s32 $0xFFFF8F80  }
0x96: {  	v0 =	vadd.f32 v8, v0;
	v1 =	vadd.f32 v9, v1;
	v9 =	vld [tilespmem:s20+$0x70]  }
0x97: {  	v2 =	vadd.f32 v10, v2;
	v8 =	vadd.f32 v11, v3;
	v10 =	vld [tilespmem:s20+$0x0]  }
0x98: {  	v11 =	vadd.f32 v12, v4;
	v12 =	vadd.f32 v13, v5;
	v13 =	vld [tilespmem:s20+$0x10]  }
0x99: {  	v14 =	vadd.f32 v14, v6;
	v15 =	vadd.f32 v15, v7;
	v6 =	vld [tilespmem:s20+$0x20]  }
0x9a: {  	v5 =	vadd.f32 v16, v0;
	v4 =	vadd.f32 v17, v1;
	v7 =	vld [tilespmem:s20+$0x30]  }
0x9b: {  	v3 =	vadd.f32 v18, v2;
	v2 =	vadd.f32 v19, v8;
	v8 =	vld [tilespmem:s20+$0x40]  }
0x9c: {  	v1 =	vadd.f32 v20, v11;
	v0 =	vadd.f32 v9, v12;
	v9 =	vld [tilespmem:s20+$0x50]  }
0x9d: {  	s18 =	simm.s32 $0x80;
	s19 =	simm.s32 $0x400;
	v10 =	vadd.f32 v10, v14;
	v12 =	vld [tilespmem:s20+$0x60];
	v11 =	vadd.f32 v13, v15  }
.LBB2_10:
0x9e: {  	p1 =	sne.s32 s19, $0x1C000;
	v13 =	vld [tilespmem:s18+$0x70];
	v5 =	vadd.f32 v6, v5  }
0x9f: {  	v14 =	vld [tilespmem:s18+$0x0];
	v4 =	vadd.f32 v7, v4  }
0xa0: {  	v15 =	vld [tilespmem:s18+$0x10];
	v3 =	vadd.f32 v8, v3  }
.Ltmp6:
0xa1: {  	v6 =	vld [tilespmem:s18+$0x20];
	v2 =	vadd.f32 v9, v2;
	(pc) =	sbr.rel @p1 .LBB2_10-.Ltmp6, $4  }
0xa2: {  	v7 =	vld [tilespmem:s18+$0x30];
	v1 =	vadd.f32 v12, v1  }
0xa3: {  	v8 =	vld [tilespmem:s18+$0x40];
	v0 =	vadd.f32 v13, v0  }
0xa4: {  	v10 =	vadd.f32 v14, v10;
	v9 =	vld [tilespmem:s18+$0x50]  }
0xa5: {  	v11 =	vadd.f32 v15, v11;
	v12 =	vld [tilespmem:s18+$0x60];
	s18 =	sshra.s32 s19, $0x2;
	s19 =	sadd.s32 $0x200, s19  }
0xa6: {  	v14 =	vld [tilespmem:s18+$0x0]  }
0xa7: {  	v15 =	vld [tilespmem:s18+$0x10]  }
0xa8: {  	v16 =	vld [tilespmem:s18+$0x20]  }
0xa9: {  	v17 =	vld [tilespmem:s18+$0x30]  }
0xaa: {  	v18 =	vld [tilespmem:s18+$0x40]  }
0xab: {  	v5 =	vadd.f32 v6, v5;
	v61 =	vld [tilespmem:s18+$0x50];
	v60 =	vadd.f32 v14, v10  }
0xac: {  	v13 =	vld [tilespmem:s18+$0x70];
	v4 =	vadd.f32 v7, v4;
	v62 =	vadd.f32 v15, v11  }
0xad: {  	v63 =	vld [tilespmem:s18+$0x60];
	v3 =	vadd.f32 v8, v3;
	v5 =	vadd.f32 v16, v5;
	[tilespmem:$0xE100] =	vst v60  }
0xae: {  	v2 =	vadd.f32 v9, v2;
	v4 =	vadd.f32 v17, v4;
	[tilespmem:$0xE110] =	vst v62  }
0xaf: {  	v3 =	vadd.f32 v18, v3;
	[tilespmem:$0xE120] =	vst v5  }
0xb0: {  	v1 =	vadd.f32 v12, v1;
	v2 =	vadd.f32 v61, v2;
	[tilespmem:$0xE130] =	vst v4  }
0xb1: {  	v0 =	vadd.f32 v13, v0;
	[tilespmem:$0xE140] =	vst v3  }
0xb2: {  	v1 =	vadd.f32 v63, v1;
	[tilespmem:$0xE150] =	vst v2  }
0xb3: {  	[tilespmem:$0xE170] =	vst v0  }
0xb4: {  	[tilespmem:$0xE160] =	vst v1  }
0xb5: {  	[spmem:s8] =	stream.linear.scatter [tilespmem:s14], [sflag:$0x3], $0x80, $0x38;
	[tilespmem:$0xEA00] =	vst v63  }
.Ltmp7:
0xb6: {  	_ =	swait.ge [sflag:s15], $0x80;
	(pc) =	sbr.rel @p0 .LBB2_15-.Ltmp7, $3  }
0xb7: {  	[sflag:s15] =	ssyncset.done $0x0  }
0xb8: {  	[sflag:s15] =	ssyncadd.s32 $0xFFFFFF80  }
0xb9: {  	[bflag:$0x0] =	sbarrier.arrive $0xFFFF;
	_ =	sdelay $0x1  }
0xba: {  	[tilespmem:s16], [sflag:$0x3] =	stream.linear.gather [spmem:s1], $0x800, $0x38;
	[tilespmem:$0xEA00] =	vst v63  }
0xbb: {  	_ =	swait.ge [sflag:s15], $0x800  }
0xbc: {  	[sflag:s15] =	ssyncset.done $0x0  }
0xbd: {  	s20 =	simm.s32 $0x0;
	[sflag:s15] =	ssyncadd.s32 $0xFFFFF800  }
0xbe: {  	v0 =	vld [tilespmem:s20+$0xE1F0]  }
0xbf: {  	v2 =	vld [tilespmem:s20+$0xE180]  }
0xc0: {  	v3 =	vld [tilespmem:s20+$0xE190]  }
0xc1: {  	v11 =	vld [tilespmem:s20+$0xE1A0]  }
0xc2: {  	v10 =	vld [tilespmem:s20+$0xE1B0]  }
0xc3: {  	v1 =	vimm.f32 $0.0e+00;
	v6 =	vimm.f32 $0.0e+00;
	v7 =	vld [tilespmem:s20+$0xE1C0]  }
0xc4: {  	v8 =	vimm.f32 $0.0e+00;
	v4 =	vimm.f32 $0.0e+00;
	v9 =	vld [tilespmem:s20+$0xE1D0];
	v0 =	vadd.f32 v0, v1  }
0xc5: {  	s18 =	simm.s32 $0x80;
	s19 =	simm.s32 $0x400;
	v12 =	vld [tilespmem:s20+$0xE1E0];
	v5 =	vadd.f32 v2, v1;
	v3 =	vadd.f32 v3, v1;
	v2 =	vimm.f32 $0.0e+00  }
.LBB2_13:
0xc6: {  	p1 =	sne.s32 s19, $0x1E00;
	v13 =	vld [tilespmem:s18+$0xE1F0];
	v1 =	vadd.f32 v11, v1  }
0xc7: {  	v6 =	vadd.f32 v10, v6;
	v14 =	vld [tilespmem:s18+$0xE180]  }
0xc8: {  	v8 =	vadd.f32 v7, v8;
	v15 =	vld [tilespmem:s18+$0xE190]  }
.Ltmp8:
0xc9: {  	v4 =	vadd.f32 v9, v4;
	v11 =	vld [tilespmem:s18+$0xE1A0];
	(pc) =	sbr.rel @p1 .LBB2_13-.Ltmp8, $4  }
0xca: {  	v2 =	vadd.f32 v12, v2;
	v10 =	vld [tilespmem:s18+$0xE1B0]  }
0xcb: {  	v7 =	vld [tilespmem:s18+$0xE1C0];
	v0 =	vadd.f32 v13, v0  }
0xcc: {  	v5 =	vadd.f32 v14, v5;
	v9 =	vld [tilespmem:s18+$0xE1D0]  }
0xcd: {  	v3 =	vadd.f32 v15, v3;
	v12 =	vld [tilespmem:s18+$0xE1E0];
	s18 =	sshra.s32 s19, $0x2;
	s19 =	sadd.s32 $0x200, s19  }
.Ltmp9:
0xce: {  	_ = 	snop;
	(pc) =	sbr.rel .LBB2_14-.Ltmp9, $1  }
0xcf: {  	_ =	sdelay $0x3  }
.LBB2_16:
0xd0: {  	_ =	sfence.sel $0x180000  }
0xd1: {  	[bflag:$0x0] =	sbarrier.arrive $0xFFFF  }
0xd2: {  	_ =	strace $0x90000047  }
0xd3: {  	s0 =	sadd.s32 @!p0 $0x100000, s0;
	[bflag:$0x2] =	sbarrier.arrive $0xFFFF  }
0xd4: {  	[sflag:s0] =	ssyncadd.tile.s32 @!p0 $0x1;
	_ =	shalt  }
.Lfunc_end2:
_tile_overlayer_lowered:
.L_overlay_start_2:
0xd5: {  	(tag) =	ssettag $0x2  }
0xd6: {  	s0 =	rddreg [dreg:$0x0];
	s2 =	stileid.u32  }
0xd7: {  	s1 =	rddreg [dreg:$0x1];
	p0 =	sne.s32 s2, $0x0  }
0xd8: {  	s3 =	rddreg [dreg:$0x2];
	[bflag:$0x3] =	sbarrier.arrive $0xFFFF;
	s2 =	simm.s32 @!p0 $0x1C03  }
0xd9: {  	[timem:s3], [sflag:s2] =	dma.local @!p0 [hbm:s0], s1  }
0xda: {  	s0 =	simm.s32 @!p0 $0x3  }
0xdb: {  	_ =	swait.ge @!p0 [sflag:s0], s1  }
0xdc: {  	s1 =	ssub.s32 @!p0 $0x0, s1;
	[sflag:s0] =	ssyncset.done @!p0 $0x0  }
0xdd: {  	[sflag:s0] =	ssyncadd.s32 @!p0 s1  }
0xde: {  	[bflag:$0x3] =	sbarrier.arrive $0xFFFF  }
0xdf: {  	_ =	shalt  }

</sc_bundles>
